<compile_context>
chip_gen: v7x
topology: tpu7x:2x2x1
jax: 0.10.2.dev20260603
libtpu: 0.0.44.dev20260713+nightly
codegen_flags: <defaults>
</compile_context>

<pallas_src>
import jax
import jax.numpy as jnp
from jax import lax
from jax.experimental import pallas as pl
from jax.experimental.pallas import tpu as pltpu
from jax.experimental.pallas import tpu_sc as plsc

IGNORE = 19
CE_W = 0.5
LV_W = 0.5
NCLS = 10
C = 20
NB = 2048
HSIZE = 2 * NCLS * NB

BATCH, HDIM, WDIM = 4, 512, 512
NPIX = BATCH * HDIM * WDIM
HBLK = 64
GRID_H = HDIM // HBLK
ROWS_STEP = HBLK * WDIM // 128

NIDX = NCLS * NPIX
NSC, NTEC = 2, 16
NW = NSC * NTEC
PER_W = NIDX // NW
CHUNK = 32768
NCHUNK = PER_W // CHUNK
GROUPS = CHUNK // 2048


def _p1_body(x_ref, t_ref, idx_ref, ce_ref):
    first = jnp.logical_and(pl.program_id(0) == 0, pl.program_id(1) == 0)

    @pl.when(first)
    def _():
        ce_ref[...] = jnp.zeros_like(ce_ref)

    x = x_ref[0]
    t = t_ref[0]
    m = jnp.max(x, axis=0)
    ex = jnp.exp(x - m[None])
    s = jnp.sum(ex, axis=0)
    lse = jnp.log(s) + m
    xt = jnp.zeros((HBLK, WDIM), jnp.float32)
    fgf = []
    for c in range(C):
        cmp = t == c
        xt = xt + jnp.where(cmp, x[c], 0.0)
        if c < NCLS:
            fgf.append(cmp.astype(jnp.float32))
    maskf = (t != IGNORE).astype(jnp.float32)
    nll = (lse - xt) * maskf
    ce_ref[0] += jnp.sum(nll.reshape(HBLK, WDIM // 128, 128), axis=1)
    ce_ref[1] += jnp.sum(maskf.reshape(HBLK, WDIM // 128, 128), axis=1)

    s_inv = 1.0 / s
    for c in range(NCLS):
        p = ex[c] * s_inv
        e = jnp.abs(fgf[c] - p) * maskf
        idx_f = jnp.minimum(e * NB, NB - 1.0) + fgf[c] * (NCLS * NB) + c * NB
        idx = idx_f.astype(jnp.int32)
        half = ROWS_STEP // 2
        idx_ref[c, :half] = idx[: HBLK // 2].reshape(half, 128)
        idx_ref[c, half:] = idx[HBLK // 2:].reshape(half, 128)


def _p3_body(hist_ref, ce_ref, out_ref):
    tot = hist_ref[pl.ds(0, C)]
    for w in range(1, NW):
        tot += hist_ref[pl.ds(w * C, C)]
    fgc = tot[NCLS:]
    cnt = tot[:NCLS] + fgc

    def cum(v):
        sh = 1
        while sh < NB:
            z = jnp.zeros((NCLS, sh), jnp.float32)
            v = v + jnp.concatenate([z, v[:, :-sh]], axis=1)
            sh *= 2
        return v

    cum_c = cum(cnt)
    cum_f = cum(fgc)
    tot_c = cum_c[:, -1:]
    tot_f = cum_f[:, -1:]
    n_b = tot_c - cum_c + cnt
    f_b = tot_f - cum_f + fgc
    gts = tot_f
    j_end = 1.0 - (gts - f_b) / jnp.maximum(gts + n_b - f_b, 1.0)
    j_sta = 1.0 - (gts - (f_b - fgc)) / jnp.maximum(
        gts + (n_b - cnt) - (f_b - fgc), 1.0)
    eb = (lax.broadcasted_iota(jnp.int32, (NCLS, NB), 1).astype(jnp.float32)
          + 0.5) / NB
    term = jnp.sum(eb * (j_end - j_sta), axis=1, keepdims=True)
    lv = jnp.sum(jnp.where(gts > 0, term, 0.0)) / NCLS
    ce = jnp.sum(ce_ref[0]) / jnp.sum(ce_ref[1])
    out_ref[...] = jnp.full((8, 128), CE_W * ce + LV_W * lv, jnp.float32)


def _sc_hist(idx_hbm, zeros_hbm, out_hbm, buf0, buf1, hist_v, sem0, sem1):
    cid = lax.axis_index("c")
    sid = lax.axis_index("s")
    wid = sid * NSC + cid
    base = wid * PER_W

    pltpu.sync_copy(zeros_hbm, hist_v)

    bufs = (buf0, buf1)
    sems = (sem0, sem1)

    def load(ch, slot):
        return pltpu.make_async_copy(
            idx_hbm.at[pl.ds(base + ch * CHUNK, CHUNK)], bufs[slot], sems[slot])

    ones = jnp.ones((16,), jnp.float32)

    def scatter_chunk(buf):
        @plsc.parallel_loop(0, CHUNK // 16, unroll=8)
        def _(t):
            vec = buf[pl.ds(t * 16, 16)]
            plsc.addupdate_scatter(hist_v, [vec], ones)

    load(0, 0).start()
    for ch in range(NCHUNK):
        slot = ch % 2
        if ch + 1 < NCHUNK:
            load(ch + 1, 1 - slot).start()
        load(ch, slot).wait()
        scatter_chunk(bufs[slot])

    pltpu.sync_copy(hist_v, out_hbm.at[wid])


def kernel(inputs, targets):
    targets = targets.astype(jnp.int32)

    idx, ce_parts = pl.pallas_call(
        _p1_body,
        grid=(BATCH, GRID_H),
        in_specs=[
            pl.BlockSpec((1, C, HBLK, WDIM), lambda b, h: (b, 0, h, 0)),
            pl.BlockSpec((1, HBLK, WDIM), lambda b, h: (b, h, 0)),
        ],
        out_specs=[
            pl.BlockSpec((NCLS, ROWS_STEP, 128),
                         lambda b, h: (0, b * GRID_H + h, 0)),
            pl.BlockSpec((2, HBLK, 128), lambda b, h: (0, 0, 0)),
        ],
        out_shape=[
            jax.ShapeDtypeStruct((NCLS, NPIX // 128, 128), jnp.int32),
            jax.ShapeDtypeStruct((2, HBLK, 128), jnp.float32),
        ],
    )(inputs, targets)

    idx1d = idx.reshape(NIDX)
    zeros = jnp.zeros((HSIZE,), jnp.float32)

    sc_fn = pl.kernel(
        _sc_hist,
        out_type=jax.ShapeDtypeStruct((NW, HSIZE), jnp.float32),
        mesh=plsc.VectorSubcoreMesh(core_axis_name="c", subcore_axis_name="s"),
        compiler_params=pltpu.CompilerParams(needs_layout_passes=False),
        scratch_types=[
            pltpu.VMEM((CHUNK,), jnp.int32),
            pltpu.VMEM((CHUNK,), jnp.int32),
            pltpu.VMEM((HSIZE,), jnp.float32),
            pltpu.SemaphoreType.DMA,
            pltpu.SemaphoreType.DMA,
        ],
    )
    hist = sc_fn(idx1d, zeros)

    out = pl.pallas_call(
        _p3_body,
        in_specs=[
            pl.BlockSpec((NW * C, NB), lambda: (0, 0)),
            pl.BlockSpec((2, HBLK, 128), lambda: (0, 0, 0)),
        ],
        out_specs=pl.BlockSpec((8, 128), lambda: (0, 0)),
        out_shape=jax.ShapeDtypeStruct((8, 128), jnp.float32),
    )(hist.reshape(NW * C, NB), ce_parts)

    return out[0, 0]

# --- scband reference (transcript-rebuilt; emitter-appended) ---
"""Pipeline reference for scband-combined-celov-sz-loss-18047452578349 (READ-ONLY COPY).

The authoritative reference and input builder live on the scoring server;
editing this copy changes nothing except your own understanding.
"""

import jax, jax.numpy as jnp
import numpy as np

IGNORE = 19
CE_W = 0.5
LV_W = 0.5


def setup_inputs(seed: int = 0) -> dict:
    key = jax.random.key(seed)
    k1, k2 = jax.random.split(key)
    inputs = jax.random.normal(k1, (4, 20, 512, 512), dtype=jnp.float32)
    targets = jax.random.randint(k2, (4, 512, 512), 0, 20).astype(jnp.int64)
    return {"inputs": inputs, "targets": targets}


def lovasz_grad(gt_sorted):
    gts = gt_sorted.sum()
    intersection = gts - jnp.cumsum(gt_sorted)
    union = gts + jnp.cumsum(1.0 - gt_sorted)
    jaccard = 1.0 - intersection / union
    jaccard = jnp.concatenate([jaccard[:1], jaccard[1:] - jaccard[:-1]])
    return jaccard


def lovasz_loss(inputs, labels):
    probas = jax.nn.softmax(inputs, axis=1)
    B, C, H, W = probas.shape
    probas = jnp.transpose(probas, (0, 2, 3, 1)).reshape(-1, C)
    labels = labels.reshape(-1)
    # emulate filtering of ignore_index pixels by zeroing their errors;
    # zero-error pixels sort to the tail and contribute 0 to the dot product,
    # so the loss value and gradients match the torch filtered version
    mask_f = (labels != IGNORE).astype(probas.dtype)
    loss = 0.0
    max_classes = min(10, C)
    for c in range(max_classes):
        fg = (labels == c).astype(probas.dtype)  # ignore label (19) never equals c < 10
        class_pred = probas[:, c]
        errors = jnp.abs(fg - class_pred) * mask_f
        perm = jnp.argsort(-errors)
        errors_sorted = errors[perm]
        fg_sorted = fg[perm]
        grad = lovasz_grad(fg_sorted)
        term = jnp.dot(errors_sorted, grad)
        loss = loss + jnp.where(fg.sum() > 0, term, 0.0)
    return loss / max_classes


def ce_loss(inputs, targets):
    B, C, H, W = inputs.shape
    logits = jnp.transpose(inputs, (0, 2, 3, 1)).reshape(-1, C)
    t = targets.reshape(-1)
    logp = jax.nn.log_softmax(logits, axis=-1)
    t_safe = jnp.where(t == IGNORE, 0, t)
    nll = -jnp.take_along_axis(logp, t_safe[:, None], axis=1)[:, 0]
    m = (t != IGNORE).astype(logits.dtype)
    return jnp.sum(nll * m) / jnp.sum(m)


def reference(inputs, targets):
    return CE_W * ce_loss(inputs, targets) + LV_W * lovasz_loss(inputs, targets)

if __name__ == "__main__":
    import jax
    _d = setup_inputs()
    print(jax.jit(kernel)(*tuple(_d.values())))

</pallas_src>

<mosaic_0001>
#map = affine_map<(d0, d1) -> (0)>
#map1 = affine_map<(d0, d1) -> (0, 0)>
module attributes {stable_mosaic.version = 14 : i64} {
  func.func @_sc_hist(%arg0: i32, %arg1: i32, %arg2: memref<10485760xi32, #tpu.memory_space<hbm>>, %arg3: memref<40960xf32, #tpu.memory_space<hbm>>, %arg4: memref<32x40960xf32, #tpu.memory_space<hbm>>, %arg5: memref<32768xi32, #tpu.memory_space<vmem>>, %arg6: memref<32768xi32, #tpu.memory_space<vmem>>, %arg7: memref<40960xf32, #tpu.memory_space<vmem>>, %arg8: memref<!tpu.dma_semaphore, #tpu.memory_space<semaphore_mem>>, %arg9: memref<!tpu.dma_semaphore, #tpu.memory_space<semaphore_mem>>) attributes {dimension_semantics = [#tpu.dimension_semantics<core_parallel>, #tpu.dimension_semantics<subcore_parallel>], iteration_bounds = array<i64: 2, 16>, scalar_prefetch = 0 : i64, scratch_operands = 5 : i64, tpu.core_type = #tpu.core_type<sc_vector_subcore>, window_params = [{transform_indices = #map}, {transform_indices = #map}, {transform_indices = #map1}]} {
    %mul3A = arith.constant 2 : i32
    %mul3A_0 = arith.muli %arg1, %mul3A : i32
    %add3A = arith.addi %mul3A_0, %arg0 : i32
    %mul3A_1 = arith.constant 327680 : i32
    %mul3A_2 = arith.muli %add3A, %mul3A_1 : i32
    "tpu.region"() ({
      %run_scoped3A = tpu.sem_alloc : memref<!tpu.dma_semaphore, #tpu.memory_space<semaphore_mem>>
      tpu.enqueue_dma source(%arg3 : memref<40960xf32, #tpu.memory_space<hbm>>) target(%arg7 : memref<40960xf32, #tpu.memory_space<vmem>>) target_semaphore(%run_scoped3A : memref<!tpu.dma_semaphore, #tpu.memory_space<semaphore_mem>>)
      tpu.wait_dma2 semaphore(%run_scoped3A : memref<!tpu.dma_semaphore, #tpu.memory_space<semaphore_mem>>) src(%arg3 : memref<40960xf32, #tpu.memory_space<hbm>>) dst(%arg7 : memref<40960xf32, #tpu.memory_space<vmem>>)
      tpu.yield
    }) : () -> ()
    %broadcast_in_dim3A = arith.constant 1.000000e+00 : f32
    %broadcast_in_dim3A_3 = vector.broadcast %broadcast_in_dim3A : f32 to vector<16xf32>
    %add3A_4 = arith.constant 0 : i32
    %add3A_5 = arith.addi %mul3A_2, %add3A_4 : i32
    %dma_start3A = tpu.memref_slice %arg2[%add3A_5] : memref<10485760xi32, #tpu.memory_space<hbm>> -> memref<32768xi32, #tpu.memory_space<hbm>>
    %dma_start3A_6 = tpu.memref_slice %arg2[%add3A_5] : memref<10485760xi32, #tpu.memory_space<hbm>> -> memref<32768xi32, #tpu.memory_space<hbm>>
    tpu.enqueue_dma source(%dma_start3A_6 : memref<32768xi32, #tpu.memory_space<hbm>>) target(%arg5 : memref<32768xi32, #tpu.memory_space<vmem>>) target_semaphore(%arg8 : memref<!tpu.dma_semaphore, #tpu.memory_space<semaphore_mem>>)
    %add3A_7 = arith.constant 32768 : i32
    %add3A_8 = arith.addi %mul3A_2, %add3A_7 : i32
    %dma_start3A_9 = tpu.memref_slice %arg2[%add3A_8] : memref<10485760xi32, #tpu.memory_space<hbm>> -> memref<32768xi32, #tpu.memory_space<hbm>>
    %dma_start3A_10 = tpu.memref_slice %arg2[%add3A_8] : memref<10485760xi32, #tpu.memory_space<hbm>> -> memref<32768xi32, #tpu.memory_space<hbm>>
    tpu.enqueue_dma source(%dma_start3A_10 : memref<32768xi32, #tpu.memory_space<hbm>>) target(%arg6 : memref<32768xi32, #tpu.memory_space<vmem>>) target_semaphore(%arg9 : memref<!tpu.dma_semaphore, #tpu.memory_space<semaphore_mem>>)
    %add3A_11 = arith.constant 0 : i32
    %add3A_12 = arith.addi %mul3A_2, %add3A_11 : i32
    %dma_wait3A = tpu.memref_slice %arg2[%add3A_12] : memref<10485760xi32, #tpu.memory_space<hbm>> -> memref<32768xi32, #tpu.memory_space<hbm>>
    %dma_wait3A_13 = tpu.memref_slice %arg2[%add3A_12] : memref<10485760xi32, #tpu.memory_space<hbm>> -> memref<32768xi32, #tpu.memory_space<hbm>>
    tpu.wait_dma2 semaphore(%arg8 : memref<!tpu.dma_semaphore, #tpu.memory_space<semaphore_mem>>) src(%dma_wait3A_13 : memref<32768xi32, #tpu.memory_space<hbm>>) dst(%arg5 : memref<32768xi32, #tpu.memory_space<vmem>>)
    %parallel_loop3A = arith.constant 0 : i32
    %parallel_loop3A_14 = arith.constant 2048 : i32
    %parallel_loop3A_15 = arith.constant 1 : i32
    scf.for %parallel_loop3A_111 = %parallel_loop3A to %parallel_loop3A_14 step %parallel_loop3A_15  : i32 {
      %parallel_loop3A_112 = arith.constant 16 : i32
      %parallel_loop3A_113 = arith.muli %parallel_loop3A_111, %parallel_loop3A_112 : i32
      %parallel_loop3A_114 = arith.index_cast %parallel_loop3A_113 : i32 to index
      %parallel_loop3A_115 = tpu.vector_load %arg5[%parallel_loop3A_114] {strides = array<i32>} : memref<32768xi32, #tpu.memory_space<vmem>>, vector<16xi32>,
      tpu.vector_store_idx %arg7[%parallel_loop3A_115], %broadcast_in_dim3A_3 {add = true} : memref<40960xf32, #tpu.memory_space<vmem>>[vector<16xi32>], vector<16xf32>,
    } {sc.loop_unroll_factor = 8 : i64, sc.parallel_access}
    %add3A_16 = arith.constant 65536 : i32
    %add3A_17 = arith.addi %mul3A_2, %add3A_16 : i32
    %dma_start3A_18 = tpu.memref_slice %arg2[%add3A_17] : memref<10485760xi32, #tpu.memory_space<hbm>> -> memref<32768xi32, #tpu.memory_space<hbm>>
    %dma_start3A_19 = tpu.memref_slice %arg2[%add3A_17] : memref<10485760xi32, #tpu.memory_space<hbm>> -> memref<32768xi32, #tpu.memory_space<hbm>>
    tpu.enqueue_dma source(%dma_start3A_19 : memref<32768xi32, #tpu.memory_space<hbm>>) target(%arg5 : memref<32768xi32, #tpu.memory_space<vmem>>) target_semaphore(%arg8 : memref<!tpu.dma_semaphore, #tpu.memory_space<semaphore_mem>>)
    %add3A_20 = arith.constant 32768 : i32
    %add3A_21 = arith.addi %mul3A_2, %add3A_20 : i32
    %dma_wait3A_22 = tpu.memref_slice %arg2[%add3A_21] : memref<10485760xi32, #tpu.memory_space<hbm>> -> memref<32768xi32, #tpu.memory_space<hbm>>
    %dma_wait3A_23 = tpu.memref_slice %arg2[%add3A_21] : memref<10485760xi32, #tpu.memory_space<hbm>> -> memref<32768xi32, #tpu.memory_space<hbm>>
    tpu.wait_dma2 semaphore(%arg9 : memref<!tpu.dma_semaphore, #tpu.memory_space<semaphore_mem>>) src(%dma_wait3A_23 : memref<32768xi32, #tpu.memory_space<hbm>>) dst(%arg6 : memref<32768xi32, #tpu.memory_space<vmem>>)
    %parallel_loop3A_24 = arith.constant 0 : i32
    %parallel_loop3A_25 = arith.constant 2048 : i32
    %parallel_loop3A_26 = arith.constant 1 : i32
    scf.for %parallel_loop3A_111 = %parallel_loop3A_24 to %parallel_loop3A_25 step %parallel_loop3A_26  : i32 {
      %parallel_loop3A_112 = arith.constant 16 : i32
      %parallel_loop3A_113 = arith.muli %parallel_loop3A_111, %parallel_loop3A_112 : i32
      %parallel_loop3A_114 = arith.index_cast %parallel_loop3A_113 : i32 to index
      %parallel_loop3A_115 = tpu.vector_load %arg6[%parallel_loop3A_114] {strides = array<i32>} : memref<32768xi32, #tpu.memory_space<vmem>>, vector<16xi32>,
      tpu.vector_store_idx %arg7[%parallel_loop3A_115], %broadcast_in_dim3A_3 {add = true} : memref<40960xf32, #tpu.memory_space<vmem>>[vector<16xi32>], vector<16xf32>,
    } {sc.loop_unroll_factor = 8 : i64, sc.parallel_access}
    %add3A_27 = arith.constant 98304 : i32
    %add3A_28 = arith.addi %mul3A_2, %add3A_27 : i32
    %dma_start3A_29 = tpu.memref_slice %arg2[%add3A_28] : memref<10485760xi32, #tpu.memory_space<hbm>> -> memref<32768xi32, #tpu.memory_space<hbm>>
    %dma_start3A_30 = tpu.memref_slice %arg2[%add3A_28] : memref<10485760xi32, #tpu.memory_space<hbm>> -> memref<32768xi32, #tpu.memory_space<hbm>>
    tpu.enqueue_dma source(%dma_start3A_30 : memref<32768xi32, #tpu.memory_space<hbm>>) target(%arg6 : memref<32768xi32, #tpu.memory_space<vmem>>) target_semaphore(%arg9 : memref<!tpu.dma_semaphore, #tpu.memory_space<semaphore_mem>>)
    %add3A_31 = arith.constant 65536 : i32
    %add3A_32 = arith.addi %mul3A_2, %add3A_31 : i32
    %dma_wait3A_33 = tpu.memref_slice %arg2[%add3A_32] : memref<10485760xi32, #tpu.memory_space<hbm>> -> memref<32768xi32, #tpu.memory_space<hbm>>
    %dma_wait3A_34 = tpu.memref_slice %arg2[%add3A_32] : memref<10485760xi32, #tpu.memory_space<hbm>> -> memref<32768xi32, #tpu.memory_space<hbm>>
    tpu.wait_dma2 semaphore(%arg8 : memref<!tpu.dma_semaphore, #tpu.memory_space<semaphore_mem>>) src(%dma_wait3A_34 : memref<32768xi32, #tpu.memory_space<hbm>>) dst(%arg5 : memref<32768xi32, #tpu.memory_space<vmem>>)
    %parallel_loop3A_35 = arith.constant 0 : i32
    %parallel_loop3A_36 = arith.constant 2048 : i32
    %parallel_loop3A_37 = arith.constant 1 : i32
    scf.for %parallel_loop3A_111 = %parallel_loop3A_35 to %parallel_loop3A_36 step %parallel_loop3A_37  : i32 {
      %parallel_loop3A_112 = arith.constant 16 : i32
      %parallel_loop3A_113 = arith.muli %parallel_loop3A_111, %parallel_loop3A_112 : i32
      %parallel_loop3A_114 = arith.index_cast %parallel_loop3A_113 : i32 to index
      %parallel_loop3A_115 = tpu.vector_load %arg5[%parallel_loop3A_114] {strides = array<i32>} : memref<32768xi32, #tpu.memory_space<vmem>>, vector<16xi32>,
      tpu.vector_store_idx %arg7[%parallel_loop3A_115], %broadcast_in_dim3A_3 {add = true} : memref<40960xf32, #tpu.memory_space<vmem>>[vector<16xi32>], vector<16xf32>,
    } {sc.loop_unroll_factor = 8 : i64, sc.parallel_access}
    %add3A_38 = arith.constant 131072 : i32
    %add3A_39 = arith.addi %mul3A_2, %add3A_38 : i32
    %dma_start3A_40 = tpu.memref_slice %arg2[%add3A_39] : memref<10485760xi32, #tpu.memory_space<hbm>> -> memref<32768xi32, #tpu.memory_space<hbm>>
    %dma_start3A_41 = tpu.memref_slice %arg2[%add3A_39] : memref<10485760xi32, #tpu.memory_space<hbm>> -> memref<32768xi32, #tpu.memory_space<hbm>>
    tpu.enqueue_dma source(%dma_start3A_41 : memref<32768xi32, #tpu.memory_space<hbm>>) target(%arg5 : memref<32768xi32, #tpu.memory_space<vmem>>) target_semaphore(%arg8 : memref<!tpu.dma_semaphore, #tpu.memory_space<semaphore_mem>>)
    %add3A_42 = arith.constant 98304 : i32
    %add3A_43 = arith.addi %mul3A_2, %add3A_42 : i32
    %dma_wait3A_44 = tpu.memref_slice %arg2[%add3A_43] : memref<10485760xi32, #tpu.memory_space<hbm>> -> memref<32768xi32, #tpu.memory_space<hbm>>
    %dma_wait3A_45 = tpu.memref_slice %arg2[%add3A_43] : memref<10485760xi32, #tpu.memory_space<hbm>> -> memref<32768xi32, #tpu.memory_space<hbm>>
    tpu.wait_dma2 semaphore(%arg9 : memref<!tpu.dma_semaphore, #tpu.memory_space<semaphore_mem>>) src(%dma_wait3A_45 : memref<32768xi32, #tpu.memory_space<hbm>>) dst(%arg6 : memref<32768xi32, #tpu.memory_space<vmem>>)
    %parallel_loop3A_46 = arith.constant 0 : i32
    %parallel_loop3A_47 = arith.constant 2048 : i32
    %parallel_loop3A_48 = arith.constant 1 : i32
    scf.for %parallel_loop3A_111 = %parallel_loop3A_46 to %parallel_loop3A_47 step %parallel_loop3A_48  : i32 {
      %parallel_loop3A_112 = arith.constant 16 : i32
      %parallel_loop3A_113 = arith.muli %parallel_loop3A_111, %parallel_loop3A_112 : i32
      %parallel_loop3A_114 = arith.index_cast %parallel_loop3A_113 : i32 to index
      %parallel_loop3A_115 = tpu.vector_load %arg6[%parallel_loop3A_114] {strides = array<i32>} : memref<32768xi32, #tpu.memory_space<vmem>>, vector<16xi32>,
      tpu.vector_store_idx %arg7[%parallel_loop3A_115], %broadcast_in_dim3A_3 {add = true} : memref<40960xf32, #tpu.memory_space<vmem>>[vector<16xi32>], vector<16xf32>,
    } {sc.loop_unroll_factor = 8 : i64, sc.parallel_access}
    %add3A_49 = arith.constant 163840 : i32
    %add3A_50 = arith.addi %mul3A_2, %add3A_49 : i32
    %dma_start3A_51 = tpu.memref_slice %arg2[%add3A_50] : memref<10485760xi32, #tpu.memory_space<hbm>> -> memref<32768xi32, #tpu.memory_space<hbm>>
    %dma_start3A_52 = tpu.memref_slice %arg2[%add3A_50] : memref<10485760xi32, #tpu.memory_space<hbm>> -> memref<32768xi32, #tpu.memory_space<hbm>>
    tpu.enqueue_dma source(%dma_start3A_52 : memref<32768xi32, #tpu.memory_space<hbm>>) target(%arg6 : memref<32768xi32, #tpu.memory_space<vmem>>) target_semaphore(%arg9 : memref<!tpu.dma_semaphore, #tpu.memory_space<semaphore_mem>>)
    %add3A_53 = arith.constant 131072 : i32
    %add3A_54 = arith.addi %mul3A_2, %add3A_53 : i32
    %dma_wait3A_55 = tpu.memref_slice %arg2[%add3A_54] : memref<10485760xi32, #tpu.memory_space<hbm>> -> memref<32768xi32, #tpu.memory_space<hbm>>
    %dma_wait3A_56 = tpu.memref_slice %arg2[%add3A_54] : memref<10485760xi32, #tpu.memory_space<hbm>> -> memref<32768xi32, #tpu.memory_space<hbm>>
    tpu.wait_dma2 semaphore(%arg8 : memref<!tpu.dma_semaphore, #tpu.memory_space<semaphore_mem>>) src(%dma_wait3A_56 : memref<32768xi32, #tpu.memory_space<hbm>>) dst(%arg5 : memref<32768xi32, #tpu.memory_space<vmem>>)
    %parallel_loop3A_57 = arith.constant 0 : i32
    %parallel_loop3A_58 = arith.constant 2048 : i32
    %parallel_loop3A_59 = arith.constant 1 : i32
    scf.for %parallel_loop3A_111 = %parallel_loop3A_57 to %parallel_loop3A_58 step %parallel_loop3A_59  : i32 {
      %parallel_loop3A_112 = arith.constant 16 : i32
      %parallel_loop3A_113 = arith.muli %parallel_loop3A_111, %parallel_loop3A_112 : i32
      %parallel_loop3A_114 = arith.index_cast %parallel_loop3A_113 : i32 to index
      %parallel_loop3A_115 = tpu.vector_load %arg5[%parallel_loop3A_114] {strides = array<i32>} : memref<32768xi32, #tpu.memory_space<vmem>>, vector<16xi32>,
      tpu.vector_store_idx %arg7[%parallel_loop3A_115], %broadcast_in_dim3A_3 {add = true} : memref<40960xf32, #tpu.memory_space<vmem>>[vector<16xi32>], vector<16xf32>,
    } {sc.loop_unroll_factor = 8 : i64, sc.parallel_access}
    %add3A_60 = arith.constant 196608 : i32
    %add3A_61 = arith.addi %mul3A_2, %add3A_60 : i32
    %dma_start3A_62 = tpu.memref_slice %arg2[%add3A_61] : memref<10485760xi32, #tpu.memory_space<hbm>> -> memref<32768xi32, #tpu.memory_space<hbm>>
    %dma_start3A_63 = tpu.memref_slice %arg2[%add3A_61] : memref<10485760xi32, #tpu.memory_space<hbm>> -> memref<32768xi32, #tpu.memory_space<hbm>>
    tpu.enqueue_dma source(%dma_start3A_63 : memref<32768xi32, #tpu.memory_space<hbm>>) target(%arg5 : memref<32768xi32, #tpu.memory_space<vmem>>) target_semaphore(%arg8 : memref<!tpu.dma_semaphore, #tpu.memory_space<semaphore_mem>>)
    %add3A_64 = arith.constant 163840 : i32
    %add3A_65 = arith.addi %mul3A_2, %add3A_64 : i32
    %dma_wait3A_66 = tpu.memref_slice %arg2[%add3A_65] : memref<10485760xi32, #tpu.memory_space<hbm>> -> memref<32768xi32, #tpu.memory_space<hbm>>
    %dma_wait3A_67 = tpu.memref_slice %arg2[%add3A_65] : memref<10485760xi32, #tpu.memory_space<hbm>> -> memref<32768xi32, #tpu.memory_space<hbm>>
    tpu.wait_dma2 semaphore(%arg9 : memref<!tpu.dma_semaphore, #tpu.memory_space<semaphore_mem>>) src(%dma_wait3A_67 : memref<32768xi32, #tpu.memory_space<hbm>>) dst(%arg6 : memref<32768xi32, #tpu.memory_space<vmem>>)
    %parallel_loop3A_68 = arith.constant 0 : i32
    %parallel_loop3A_69 = arith.constant 2048 : i32
    %parallel_loop3A_70 = arith.constant 1 : i32
    scf.for %parallel_loop3A_111 = %parallel_loop3A_68 to %parallel_loop3A_69 step %parallel_loop3A_70  : i32 {
      %parallel_loop3A_112 = arith.constant 16 : i32
      %parallel_loop3A_113 = arith.muli %parallel_loop3A_111, %parallel_loop3A_112 : i32
      %parallel_loop3A_114 = arith.index_cast %parallel_loop3A_113 : i32 to index
      %parallel_loop3A_115 = tpu.vector_load %arg6[%parallel_loop3A_114] {strides = array<i32>} : memref<32768xi32, #tpu.memory_space<vmem>>, vector<16xi32>,
      tpu.vector_store_idx %arg7[%parallel_loop3A_115], %broadcast_in_dim3A_3 {add = true} : memref<40960xf32, #tpu.memory_space<vmem>>[vector<16xi32>], vector<16xf32>,
    } {sc.loop_unroll_factor = 8 : i64, sc.parallel_access}
    %add3A_71 = arith.constant 229376 : i32
    %add3A_72 = arith.addi %mul3A_2, %add3A_71 : i32
    %dma_start3A_73 = tpu.memref_slice %arg2[%add3A_72] : memref<10485760xi32, #tpu.memory_space<hbm>> -> memref<32768xi32, #tpu.memory_space<hbm>>
    %dma_start3A_74 = tpu.memref_slice %arg2[%add3A_72] : memref<10485760xi32, #tpu.memory_space<hbm>> -> memref<32768xi32, #tpu.memory_space<hbm>>
    tpu.enqueue_dma source(%dma_start3A_74 : memref<32768xi32, #tpu.memory_space<hbm>>) target(%arg6 : memref<32768xi32, #tpu.memory_space<vmem>>) target_semaphore(%arg9 : memref<!tpu.dma_semaphore, #tpu.memory_space<semaphore_mem>>)
    %add3A_75 = arith.constant 196608 : i32
    %add3A_76 = arith.addi %mul3A_2, %add3A_75 : i32
    %dma_wait3A_77 = tpu.memref_slice %arg2[%add3A_76] : memref<10485760xi32, #tpu.memory_space<hbm>> -> memref<32768xi32, #tpu.memory_space<hbm>>
    %dma_wait3A_78 = tpu.memref_slice %arg2[%add3A_76] : memref<10485760xi32, #tpu.memory_space<hbm>> -> memref<32768xi32, #tpu.memory_space<hbm>>
    tpu.wait_dma2 semaphore(%arg8 : memref<!tpu.dma_semaphore, #tpu.memory_space<semaphore_mem>>) src(%dma_wait3A_78 : memref<32768xi32, #tpu.memory_space<hbm>>) dst(%arg5 : memref<32768xi32, #tpu.memory_space<vmem>>)
    %parallel_loop3A_79 = arith.constant 0 : i32
    %parallel_loop3A_80 = arith.constant 2048 : i32
    %parallel_loop3A_81 = arith.constant 1 : i32
    scf.for %parallel_loop3A_111 = %parallel_loop3A_79 to %parallel_loop3A_80 step %parallel_loop3A_81  : i32 {
      %parallel_loop3A_112 = arith.constant 16 : i32
      %parallel_loop3A_113 = arith.muli %parallel_loop3A_111, %parallel_loop3A_112 : i32
      %parallel_loop3A_114 = arith.index_cast %parallel_loop3A_113 : i32 to index
      %parallel_loop3A_115 = tpu.vector_load %arg5[%parallel_loop3A_114] {strides = array<i32>} : memref<32768xi32, #tpu.memory_space<vmem>>, vector<16xi32>,
      tpu.vector_store_idx %arg7[%parallel_loop3A_115], %broadcast_in_dim3A_3 {add = true} : memref<40960xf32, #tpu.memory_space<vmem>>[vector<16xi32>], vector<16xf32>,
    } {sc.loop_unroll_factor = 8 : i64, sc.parallel_access}
    %add3A_82 = arith.constant 262144 : i32
    %add3A_83 = arith.addi %mul3A_2, %add3A_82 : i32
    %dma_start3A_84 = tpu.memref_slice %arg2[%add3A_83] : memref<10485760xi32, #tpu.memory_space<hbm>> -> memref<32768xi32, #tpu.memory_space<hbm>>
    %dma_start3A_85 = tpu.memref_slice %arg2[%add3A_83] : memref<10485760xi32, #tpu.memory_space<hbm>> -> memref<32768xi32, #tpu.memory_space<hbm>>
    tpu.enqueue_dma source(%dma_start3A_85 : memref<32768xi32, #tpu.memory_space<hbm>>) target(%arg5 : memref<32768xi32, #tpu.memory_space<vmem>>) target_semaphore(%arg8 : memref<!tpu.dma_semaphore, #tpu.memory_space<semaphore_mem>>)
    %add3A_86 = arith.constant 229376 : i32
    %add3A_87 = arith.addi %mul3A_2, %add3A_86 : i32
    %dma_wait3A_88 = tpu.memref_slice %arg2[%add3A_87] : memref<10485760xi32, #tpu.memory_space<hbm>> -> memref<32768xi32, #tpu.memory_space<hbm>>
    %dma_wait3A_89 = tpu.memref_slice %arg2[%add3A_87] : memref<10485760xi32, #tpu.memory_space<hbm>> -> memref<32768xi32, #tpu.memory_space<hbm>>
    tpu.wait_dma2 semaphore(%arg9 : memref<!tpu.dma_semaphore, #tpu.memory_space<semaphore_mem>>) src(%dma_wait3A_89 : memref<32768xi32, #tpu.memory_space<hbm>>) dst(%arg6 : memref<32768xi32, #tpu.memory_space<vmem>>)
    %parallel_loop3A_90 = arith.constant 0 : i32
    %parallel_loop3A_91 = arith.constant 2048 : i32
    %parallel_loop3A_92 = arith.constant 1 : i32
    scf.for %parallel_loop3A_111 = %parallel_loop3A_90 to %parallel_loop3A_91 step %parallel_loop3A_92  : i32 {
      %parallel_loop3A_112 = arith.constant 16 : i32
      %parallel_loop3A_113 = arith.muli %parallel_loop3A_111, %parallel_loop3A_112 : i32
      %parallel_loop3A_114 = arith.index_cast %parallel_loop3A_113 : i32 to index
      %parallel_loop3A_115 = tpu.vector_load %arg6[%parallel_loop3A_114] {strides = array<i32>} : memref<32768xi32, #tpu.memory_space<vmem>>, vector<16xi32>,
      tpu.vector_store_idx %arg7[%parallel_loop3A_115], %broadcast_in_dim3A_3 {add = true} : memref<40960xf32, #tpu.memory_space<vmem>>[vector<16xi32>], vector<16xf32>,
    } {sc.loop_unroll_factor = 8 : i64, sc.parallel_access}
    %add3A_93 = arith.constant 294912 : i32
    %add3A_94 = arith.addi %mul3A_2, %add3A_93 : i32
    %dma_start3A_95 = tpu.memref_slice %arg2[%add3A_94] : memref<10485760xi32, #tpu.memory_space<hbm>> -> memref<32768xi32, #tpu.memory_space<hbm>>
    %dma_start3A_96 = tpu.memref_slice %arg2[%add3A_94] : memref<10485760xi32, #tpu.memory_space<hbm>> -> memref<32768xi32, #tpu.memory_space<hbm>>
    tpu.enqueue_dma source(%dma_start3A_96 : memref<32768xi32, #tpu.memory_space<hbm>>) target(%arg6 : memref<32768xi32, #tpu.memory_space<vmem>>) target_semaphore(%arg9 : memref<!tpu.dma_semaphore, #tpu.memory_space<semaphore_mem>>)
    %add3A_97 = arith.constant 262144 : i32
    %add3A_98 = arith.addi %mul3A_2, %add3A_97 : i32
    %dma_wait3A_99 = tpu.memref_slice %arg2[%add3A_98] : memref<10485760xi32, #tpu.memory_space<hbm>> -> memref<32768xi32, #tpu.memory_space<hbm>>
    %dma_wait3A_100 = tpu.memref_slice %arg2[%add3A_98] : memref<10485760xi32, #tpu.memory_space<hbm>> -> memref<32768xi32, #tpu.memory_space<hbm>>
    tpu.wait_dma2 semaphore(%arg8 : memref<!tpu.dma_semaphore, #tpu.memory_space<semaphore_mem>>) src(%dma_wait3A_100 : memref<32768xi32, #tpu.memory_space<hbm>>) dst(%arg5 : memref<32768xi32, #tpu.memory_space<vmem>>)
    %parallel_loop3A_101 = arith.constant 0 : i32
    %parallel_loop3A_102 = arith.constant 2048 : i32
    %parallel_loop3A_103 = arith.constant 1 : i32
    scf.for %parallel_loop3A_111 = %parallel_loop3A_101 to %parallel_loop3A_102 step %parallel_loop3A_103  : i32 {
      %parallel_loop3A_112 = arith.constant 16 : i32
      %parallel_loop3A_113 = arith.muli %parallel_loop3A_111, %parallel_loop3A_112 : i32
      %parallel_loop3A_114 = arith.index_cast %parallel_loop3A_113 : i32 to index
      %parallel_loop3A_115 = tpu.vector_load %arg5[%parallel_loop3A_114] {strides = array<i32>} : memref<32768xi32, #tpu.memory_space<vmem>>, vector<16xi32>,
      tpu.vector_store_idx %arg7[%parallel_loop3A_115], %broadcast_in_dim3A_3 {add = true} : memref<40960xf32, #tpu.memory_space<vmem>>[vector<16xi32>], vector<16xf32>,
    } {sc.loop_unroll_factor = 8 : i64, sc.parallel_access}
    %add3A_104 = arith.constant 294912 : i32
    %add3A_105 = arith.addi %mul3A_2, %add3A_104 : i32
    %dma_wait3A_106 = tpu.memref_slice %arg2[%add3A_105] : memref<10485760xi32, #tpu.memory_space<hbm>> -> memref<32768xi32, #tpu.memory_space<hbm>>
    %dma_wait3A_107 = tpu.memref_slice %arg2[%add3A_105] : memref<10485760xi32, #tpu.memory_space<hbm>> -> memref<32768xi32, #tpu.memory_space<hbm>>
    tpu.wait_dma2 semaphore(%arg9 : memref<!tpu.dma_semaphore, #tpu.memory_space<semaphore_mem>>) src(%dma_wait3A_107 : memref<32768xi32, #tpu.memory_space<hbm>>) dst(%arg6 : memref<32768xi32, #tpu.memory_space<vmem>>)
    %parallel_loop3A_108 = arith.constant 0 : i32
    %parallel_loop3A_109 = arith.constant 2048 : i32
    %parallel_loop3A_110 = arith.constant 1 : i32
    scf.for %parallel_loop3A_111 = %parallel_loop3A_108 to %parallel_loop3A_109 step %parallel_loop3A_110  : i32 {
      %parallel_loop3A_112 = arith.constant 16 : i32
      %parallel_loop3A_113 = arith.muli %parallel_loop3A_111, %parallel_loop3A_112 : i32
      %parallel_loop3A_114 = arith.index_cast %parallel_loop3A_113 : i32 to index
      %parallel_loop3A_115 = tpu.vector_load %arg6[%parallel_loop3A_114] {strides = array<i32>} : memref<32768xi32, #tpu.memory_space<vmem>>, vector<16xi32>,
      tpu.vector_store_idx %arg7[%parallel_loop3A_115], %broadcast_in_dim3A_3 {add = true} : memref<40960xf32, #tpu.memory_space<vmem>>[vector<16xi32>], vector<16xf32>,
    } {sc.loop_unroll_factor = 8 : i64, sc.parallel_access}
    "tpu.region"() ({
      %run_scoped3A = tpu.sem_alloc : memref<!tpu.dma_semaphore, #tpu.memory_space<semaphore_mem>>
      %dma_start3A_111 = arith.constant 0 : i32
      %dma_start3A_112 = tpu.memref_slice %arg4[%add3A, %dma_start3A_111] : memref<32x40960xf32, #tpu.memory_space<hbm>> -> memref<1x40960xf32, #tpu.memory_space<hbm>>
      %dma_start3A_113 = tpu.memref_squeeze %dma_start3A_112 : memref<1x40960xf32, #tpu.memory_space<hbm>> -> memref<40960xf32, #tpu.memory_space<hbm>>
      %dma_start3A_114 = arith.constant 0 : i32
      %dma_start3A_115 = tpu.memref_slice %arg4[%add3A, %dma_start3A_114] : memref<32x40960xf32, #tpu.memory_space<hbm>> -> memref<1x40960xf32, #tpu.memory_space<hbm>>
      %dma_start3A_116 = tpu.memref_squeeze %dma_start3A_115 : memref<1x40960xf32, #tpu.memory_space<hbm>> -> memref<40960xf32, #tpu.memory_space<hbm>>
      tpu.enqueue_dma source(%arg7 : memref<40960xf32, #tpu.memory_space<vmem>>) target(%dma_start3A_116 : memref<40960xf32, #tpu.memory_space<hbm>>) target_semaphore(%run_scoped3A : memref<!tpu.dma_semaphore, #tpu.memory_space<semaphore_mem>>)
      %dma_wait3A_117 = arith.constant 0 : i32
      %dma_wait3A_118 = tpu.memref_slice %arg4[%add3A, %dma_wait3A_117] : memref<32x40960xf32, #tpu.memory_space<hbm>> -> memref<1x40960xf32, #tpu.memory_space<hbm>>
      %dma_wait3A_119 = tpu.memref_squeeze %dma_wait3A_118 : memref<1x40960xf32, #tpu.memory_space<hbm>> -> memref<40960xf32, #tpu.memory_space<hbm>>
      %dma_wait3A_120 = arith.constant 0 : i32
      %dma_wait3A_121 = tpu.memref_slice %arg4[%add3A, %dma_wait3A_120] : memref<32x40960xf32, #tpu.memory_space<hbm>> -> memref<1x40960xf32, #tpu.memory_space<hbm>>
      %dma_wait3A_122 = tpu.memref_squeeze %dma_wait3A_121 : memref<1x40960xf32, #tpu.memory_space<hbm>> -> memref<40960xf32, #tpu.memory_space<hbm>>
      tpu.wait_dma2 semaphore(%run_scoped3A : memref<!tpu.dma_semaphore, #tpu.memory_space<semaphore_mem>>) src(%arg7 : memref<40960xf32, #tpu.memory_space<vmem>>) dst(%dma_wait3A_122 : memref<40960xf32, #tpu.memory_space<hbm>>)
      tpu.yield
    }) : () -> ()
    return
  }
}

module attributes {stable_mosaic.version = 14 : i64} {
  func.func @_p3_body(%arg0: memref<640x2048xf32, #tpu.memory_space<vmem>>, %arg1: memref<2x64x128xf32, #tpu.memory_space<vmem>>, %arg2: memref<8x128xf32, #tpu.memory_space<vmem>>) attributes {dimension_semantics = [], scalar_prefetch = 0 : i64, scratch_operands = 0 : i64, tpu.core_type = #tpu.core_type<tc>} {
    %get3A = arith.constant 0 : index
    %get3A_0 = arith.constant 0 : index
    %get3A_1 = vector.load %arg0[%get3A, %get3A_0] : memref<640x2048xf32, #tpu.memory_space<vmem>>, vector<20x2048xf32>
    %get3A_2 = arith.constant 20 : index
    %get3A_3 = arith.constant 0 : index
    %get3A_4 = vector.load %arg0[%get3A_2, %get3A_3] : memref<640x2048xf32, #tpu.memory_space<vmem>>, vector<20x2048xf32>
    %add3A = arith.addf %get3A_1, %get3A_4 : vector<20x2048xf32>
    %get3A_5 = arith.constant 40 : index
    %get3A_6 = arith.constant 0 : index
    %get3A_7 = vector.load %arg0[%get3A_5, %get3A_6] : memref<640x2048xf32, #tpu.memory_space<vmem>>, vector<20x2048xf32>
    %add3A_8 = arith.addf %add3A, %get3A_7 : vector<20x2048xf32>
    %get3A_9 = arith.constant 60 : index
    %get3A_10 = arith.constant 0 : index
    %get3A_11 = vector.load %arg0[%get3A_9, %get3A_10] : memref<640x2048xf32, #tpu.memory_space<vmem>>, vector<20x2048xf32>
    %add3A_12 = arith.addf %add3A_8, %get3A_11 : vector<20x2048xf32>
    %get3A_13 = arith.constant 80 : index
    %get3A_14 = arith.constant 0 : index
    %get3A_15 = vector.load %arg0[%get3A_13, %get3A_14] : memref<640x2048xf32, #tpu.memory_space<vmem>>, vector<20x2048xf32>
    %add3A_16 = arith.addf %add3A_12, %get3A_15 : vector<20x2048xf32>
    %get3A_17 = arith.constant 100 : index
    %get3A_18 = arith.constant 0 : index
    %get3A_19 = vector.load %arg0[%get3A_17, %get3A_18] : memref<640x2048xf32, #tpu.memory_space<vmem>>, vector<20x2048xf32>
    %add3A_20 = arith.addf %add3A_16, %get3A_19 : vector<20x2048xf32>
    %get3A_21 = arith.constant 120 : index
    %get3A_22 = arith.constant 0 : index
    %get3A_23 = vector.load %arg0[%get3A_21, %get3A_22] : memref<640x2048xf32, #tpu.memory_space<vmem>>, vector<20x2048xf32>
    %add3A_24 = arith.addf %add3A_20, %get3A_23 : vector<20x2048xf32>
    %get3A_25 = arith.constant 140 : index
    %get3A_26 = arith.constant 0 : index
    %get3A_27 = vector.load %arg0[%get3A_25, %get3A_26] : memref<640x2048xf32, #tpu.memory_space<vmem>>, vector<20x2048xf32>
    %add3A_28 = arith.addf %add3A_24, %get3A_27 : vector<20x2048xf32>
    %get3A_29 = arith.constant 160 : index
    %get3A_30 = arith.constant 0 : index
    %get3A_31 = vector.load %arg0[%get3A_29, %get3A_30] : memref<640x2048xf32, #tpu.memory_space<vmem>>, vector<20x2048xf32>
    %add3A_32 = arith.addf %add3A_28, %get3A_31 : vector<20x2048xf32>
    %get3A_33 = arith.constant 180 : index
    %get3A_34 = arith.constant 0 : index
    %get3A_35 = vector.load %arg0[%get3A_33, %get3A_34] : memref<640x2048xf32, #tpu.memory_space<vmem>>, vector<20x2048xf32>
    %add3A_36 = arith.addf %add3A_32, %get3A_35 : vector<20x2048xf32>
    %get3A_37 = arith.constant 200 : index
    %get3A_38 = arith.constant 0 : index
    %get3A_39 = vector.load %arg0[%get3A_37, %get3A_38] : memref<640x2048xf32, #tpu.memory_space<vmem>>, vector<20x2048xf32>
    %add3A_40 = arith.addf %add3A_36, %get3A_39 : vector<20x2048xf32>
    %get3A_41 = arith.constant 220 : index
    %get3A_42 = arith.constant 0 : index
    %get3A_43 = vector.load %arg0[%get3A_41, %get3A_42] : memref<640x2048xf32, #tpu.memory_space<vmem>>, vector<20x2048xf32>
    %add3A_44 = arith.addf %add3A_40, %get3A_43 : vector<20x2048xf32>
    %get3A_45 = arith.constant 240 : index
    %get3A_46 = arith.constant 0 : index
    %get3A_47 = vector.load %arg0[%get3A_45, %get3A_46] : memref<640x2048xf32, #tpu.memory_space<vmem>>, vector<20x2048xf32>
    %add3A_48 = arith.addf %add3A_44, %get3A_47 : vector<20x2048xf32>
    %get3A_49 = arith.constant 260 : index
    %get3A_50 = arith.constant 0 : index
    %get3A_51 = vector.load %arg0[%get3A_49, %get3A_50] : memref<640x2048xf32, #tpu.memory_space<vmem>>, vector<20x2048xf32>
    %add3A_52 = arith.addf %add3A_48, %get3A_51 : vector<20x2048xf32>
    %get3A_53 = arith.constant 280 : index
    %get3A_54 = arith.constant 0 : index
    %get3A_55 = vector.load %arg0[%get3A_53, %get3A_54] : memref<640x2048xf32, #tpu.memory_space<vmem>>, vector<20x2048xf32>
    %add3A_56 = arith.addf %add3A_52, %get3A_55 : vector<20x2048xf32>
    %get3A_57 = arith.constant 300 : index
    %get3A_58 = arith.constant 0 : index
    %get3A_59 = vector.load %arg0[%get3A_57, %get3A_58] : memref<640x2048xf32, #tpu.memory_space<vmem>>, vector<20x2048xf32>
    %add3A_60 = arith.addf %add3A_56, %get3A_59 : vector<20x2048xf32>
    %get3A_61 = arith.constant 320 : index
    %get3A_62 = arith.constant 0 : index
    %get3A_63 = vector.load %arg0[%get3A_61, %get3A_62] : memref<640x2048xf32, #tpu.memory_space<vmem>>, vector<20x2048xf32>
    %add3A_64 = arith.addf %add3A_60, %get3A_63 : vector<20x2048xf32>
    %get3A_65 = arith.constant 340 : index
    %get3A_66 = arith.constant 0 : index
    %get3A_67 = vector.load %arg0[%get3A_65, %get3A_66] : memref<640x2048xf32, #tpu.memory_space<vmem>>, vector<20x2048xf32>
    %add3A_68 = arith.addf %add3A_64, %get3A_67 : vector<20x2048xf32>
    %get3A_69 = arith.constant 360 : index
    %get3A_70 = arith.constant 0 : index
    %get3A_71 = vector.load %arg0[%get3A_69, %get3A_70] : memref<640x2048xf32, #tpu.memory_space<vmem>>, vector<20x2048xf32>
    %add3A_72 = arith.addf %add3A_68, %get3A_71 : vector<20x2048xf32>
    %get3A_73 = arith.constant 380 : index
    %get3A_74 = arith.constant 0 : index
    %get3A_75 = vector.load %arg0[%get3A_73, %get3A_74] : memref<640x2048xf32, #tpu.memory_space<vmem>>, vector<20x2048xf32>
    %add3A_76 = arith.addf %add3A_72, %get3A_75 : vector<20x2048xf32>
    %get3A_77 = arith.constant 400 : index
    %get3A_78 = arith.constant 0 : index
    %get3A_79 = vector.load %arg0[%get3A_77, %get3A_78] : memref<640x2048xf32, #tpu.memory_space<vmem>>, vector<20x2048xf32>
    %add3A_80 = arith.addf %add3A_76, %get3A_79 : vector<20x2048xf32>
    %get3A_81 = arith.constant 420 : index
    %get3A_82 = arith.constant 0 : index
    %get3A_83 = vector.load %arg0[%get3A_81, %get3A_82] : memref<640x2048xf32, #tpu.memory_space<vmem>>, vector<20x2048xf32>
    %add3A_84 = arith.addf %add3A_80, %get3A_83 : vector<20x2048xf32>
    %get3A_85 = arith.constant 440 : index
    %get3A_86 = arith.constant 0 : index
    %get3A_87 = vector.load %arg0[%get3A_85, %get3A_86] : memref<640x2048xf32, #tpu.memory_space<vmem>>, vector<20x2048xf32>
    %add3A_88 = arith.addf %add3A_84, %get3A_87 : vector<20x2048xf32>
    %get3A_89 = arith.constant 460 : index
    %get3A_90 = arith.constant 0 : index
    %get3A_91 = vector.load %arg0[%get3A_89, %get3A_90] : memref<640x2048xf32, #tpu.memory_space<vmem>>, vector<20x2048xf32>
    %add3A_92 = arith.addf %add3A_88, %get3A_91 : vector<20x2048xf32>
    %get3A_93 = arith.constant 480 : index
    %get3A_94 = arith.constant 0 : index
    %get3A_95 = vector.load %arg0[%get3A_93, %get3A_94] : memref<640x2048xf32, #tpu.memory_space<vmem>>, vector<20x2048xf32>
    %add3A_96 = arith.addf %add3A_92, %get3A_95 : vector<20x2048xf32>
    %get3A_97 = arith.constant 500 : index
    %get3A_98 = arith.constant 0 : index
    %get3A_99 = vector.load %arg0[%get3A_97, %get3A_98] : memref<640x2048xf32, #tpu.memory_space<vmem>>, vector<20x2048xf32>
    %add3A_100 = arith.addf %add3A_96, %get3A_99 : vector<20x2048xf32>
    %get3A_101 = arith.constant 520 : index
    %get3A_102 = arith.constant 0 : index
    %get3A_103 = vector.load %arg0[%get3A_101, %get3A_102] : memref<640x2048xf32, #tpu.memory_space<vmem>>, vector<20x2048xf32>
    %add3A_104 = arith.addf %add3A_100, %get3A_103 : vector<20x2048xf32>
    %get3A_105 = arith.constant 540 : index
    %get3A_106 = arith.constant 0 : index
    %get3A_107 = vector.load %arg0[%get3A_105, %get3A_106] : memref<640x2048xf32, #tpu.memory_space<vmem>>, vector<20x2048xf32>
    %add3A_108 = arith.addf %add3A_104, %get3A_107 : vector<20x2048xf32>
    %get3A_109 = arith.constant 560 : index
    %get3A_110 = arith.constant 0 : index
    %get3A_111 = vector.load %arg0[%get3A_109, %get3A_110] : memref<640x2048xf32, #tpu.memory_space<vmem>>, vector<20x2048xf32>
    %add3A_112 = arith.addf %add3A_108, %get3A_111 : vector<20x2048xf32>
    %get3A_113 = arith.constant 580 : index
    %get3A_114 = arith.constant 0 : index
    %get3A_115 = vector.load %arg0[%get3A_113, %get3A_114] : memref<640x2048xf32, #tpu.memory_space<vmem>>, vector<20x2048xf32>
    %add3A_116 = arith.addf %add3A_112, %get3A_115 : vector<20x2048xf32>
    %get3A_117 = arith.constant 600 : index
    %get3A_118 = arith.constant 0 : index
    %get3A_119 = vector.load %arg0[%get3A_117, %get3A_118] : memref<640x2048xf32, #tpu.memory_space<vmem>>, vector<20x2048xf32>
    %add3A_120 = arith.addf %add3A_116, %get3A_119 : vector<20x2048xf32>
    %get3A_121 = arith.constant 620 : index
    %get3A_122 = arith.constant 0 : index
    %get3A_123 = vector.load %arg0[%get3A_121, %get3A_122] : memref<640x2048xf32, #tpu.memory_space<vmem>>, vector<20x2048xf32>
    %add3A_124 = arith.addf %add3A_120, %get3A_123 : vector<20x2048xf32>
    %slice3A = vector.extract_strided_slice %add3A_124 {offsets = [10, 0], sizes = [10, 2048], strides = [1, 1]} : vector<20x2048xf32> to vector<10x2048xf32>
    %slice3A_125 = vector.extract_strided_slice %add3A_124 {offsets = [0, 0], sizes = [10, 2048], strides = [1, 1]} : vector<20x2048xf32> to vector<10x2048xf32>
    %add3A_126 = arith.addf %slice3A_125, %slice3A : vector<10x2048xf32>
    %broadcast_in_dim3A = arith.constant 0.000000e+00 : f32
    %broadcast_in_dim3A_127 = vector.broadcast %broadcast_in_dim3A : f32 to vector<10x1xf32>
    %slice3A_128 = vector.extract_strided_slice %add3A_126 {offsets = [0, 0], sizes = [10, 2047], strides = [1, 1]} : vector<10x2048xf32> to vector<10x2047xf32>
    %concatenate3A = tpu.concatenate %broadcast_in_dim3A_127, %slice3A_128 in 1 : vector<10x1xf32>, vector<10x2047xf32> -> vector<10x2048xf32>
    %add3A_129 = arith.addf %add3A_126, %concatenate3A : vector<10x2048xf32>
    %broadcast_in_dim3A_130 = arith.constant 0.000000e+00 : f32
    %broadcast_in_dim3A_131 = vector.broadcast %broadcast_in_dim3A_130 : f32 to vector<10x2xf32>
    %slice3A_132 = vector.extract_strided_slice %add3A_129 {offsets = [0, 0], sizes = [10, 2046], strides = [1, 1]} : vector<10x2048xf32> to vector<10x2046xf32>
    %concatenate3A_133 = tpu.concatenate %broadcast_in_dim3A_131, %slice3A_132 in 1 : vector<10x2xf32>, vector<10x2046xf32> -> vector<10x2048xf32>
    %add3A_134 = arith.addf %add3A_129, %concatenate3A_133 : vector<10x2048xf32>
    %broadcast_in_dim3A_135 = arith.constant 0.000000e+00 : f32
    %broadcast_in_dim3A_136 = vector.broadcast %broadcast_in_dim3A_135 : f32 to vector<10x4xf32>
    %slice3A_137 = vector.extract_strided_slice %add3A_134 {offsets = [0, 0], sizes = [10, 2044], strides = [1, 1]} : vector<10x2048xf32> to vector<10x2044xf32>
    %concatenate3A_138 = tpu.concatenate %broadcast_in_dim3A_136, %slice3A_137 in 1 : vector<10x4xf32>, vector<10x2044xf32> -> vector<10x2048xf32>
    %add3A_139 = arith.addf %add3A_134, %concatenate3A_138 : vector<10x2048xf32>
    %broadcast_in_dim3A_140 = arith.constant 0.000000e+00 : f32
    %broadcast_in_dim3A_141 = vector.broadcast %broadcast_in_dim3A_140 : f32 to vector<10x8xf32>
    %slice3A_142 = vector.extract_strided_slice %add3A_139 {offsets = [0, 0], sizes = [10, 2040], strides = [1, 1]} : vector<10x2048xf32> to vector<10x2040xf32>
    %concatenate3A_143 = tpu.concatenate %broadcast_in_dim3A_141, %slice3A_142 in 1 : vector<10x8xf32>, vector<10x2040xf32> -> vector<10x2048xf32>
    %add3A_144 = arith.addf %add3A_139, %concatenate3A_143 : vector<10x2048xf32>
    %broadcast_in_dim3A_145 = arith.constant 0.000000e+00 : f32
    %broadcast_in_dim3A_146 = vector.broadcast %broadcast_in_dim3A_145 : f32 to vector<10x16xf32>
    %slice3A_147 = vector.extract_strided_slice %add3A_144 {offsets = [0, 0], sizes = [10, 2032], strides = [1, 1]} : vector<10x2048xf32> to vector<10x2032xf32>
    %concatenate3A_148 = tpu.concatenate %broadcast_in_dim3A_146, %slice3A_147 in 1 : vector<10x16xf32>, vector<10x2032xf32> -> vector<10x2048xf32>
    %add3A_149 = arith.addf %add3A_144, %concatenate3A_148 : vector<10x2048xf32>
    %broadcast_in_dim3A_150 = arith.constant 0.000000e+00 : f32
    %broadcast_in_dim3A_151 = vector.broadcast %broadcast_in_dim3A_150 : f32 to vector<10x32xf32>
    %slice3A_152 = vector.extract_strided_slice %add3A_149 {offsets = [0, 0], sizes = [10, 2016], strides = [1, 1]} : vector<10x2048xf32> to vector<10x2016xf32>
    %concatenate3A_153 = tpu.concatenate %broadcast_in_dim3A_151, %slice3A_152 in 1 : vector<10x32xf32>, vector<10x2016xf32> -> vector<10x2048xf32>
    %add3A_154 = arith.addf %add3A_149, %concatenate3A_153 : vector<10x2048xf32>
    %broadcast_in_dim3A_155 = arith.constant 0.000000e+00 : f32
    %broadcast_in_dim3A_156 = vector.broadcast %broadcast_in_dim3A_155 : f32 to vector<10x64xf32>
    %slice3A_157 = vector.extract_strided_slice %add3A_154 {offsets = [0, 0], sizes = [10, 1984], strides = [1, 1]} : vector<10x2048xf32> to vector<10x1984xf32>
    %concatenate3A_158 = tpu.concatenate %broadcast_in_dim3A_156, %slice3A_157 in 1 : vector<10x64xf32>, vector<10x1984xf32> -> vector<10x2048xf32>
    %add3A_159 = arith.addf %add3A_154, %concatenate3A_158 : vector<10x2048xf32>
    %broadcast_in_dim3A_160 = arith.constant 0.000000e+00 : f32
    %broadcast_in_dim3A_161 = vector.broadcast %broadcast_in_dim3A_160 : f32 to vector<10x128xf32>
    %slice3A_162 = vector.extract_strided_slice %add3A_159 {offsets = [0, 0], sizes = [10, 1920], strides = [1, 1]} : vector<10x2048xf32> to vector<10x1920xf32>
    %concatenate3A_163 = tpu.concatenate %broadcast_in_dim3A_161, %slice3A_162 in 1 : vector<10x128xf32>, vector<10x1920xf32> -> vector<10x2048xf32>
    %add3A_164 = arith.addf %add3A_159, %concatenate3A_163 : vector<10x2048xf32>
    %broadcast_in_dim3A_165 = arith.constant 0.000000e+00 : f32
    %broadcast_in_dim3A_166 = vector.broadcast %broadcast_in_dim3A_165 : f32 to vector<10x256xf32>
    %slice3A_167 = vector.extract_strided_slice %add3A_164 {offsets = [0, 0], sizes = [10, 1792], strides = [1, 1]} : vector<10x2048xf32> to vector<10x1792xf32>
    %concatenate3A_168 = tpu.concatenate %broadcast_in_dim3A_166, %slice3A_167 in 1 : vector<10x256xf32>, vector<10x1792xf32> -> vector<10x2048xf32>
    %add3A_169 = arith.addf %add3A_164, %concatenate3A_168 : vector<10x2048xf32>
    %broadcast_in_dim3A_170 = arith.constant 0.000000e+00 : f32
    %broadcast_in_dim3A_171 = vector.broadcast %broadcast_in_dim3A_170 : f32 to vector<10x512xf32>
    %slice3A_172 = vector.extract_strided_slice %add3A_169 {offsets = [0, 0], sizes = [10, 1536], strides = [1, 1]} : vector<10x2048xf32> to vector<10x1536xf32>
    %concatenate3A_173 = tpu.concatenate %broadcast_in_dim3A_171, %slice3A_172 in 1 : vector<10x512xf32>, vector<10x1536xf32> -> vector<10x2048xf32>
    %add3A_174 = arith.addf %add3A_169, %concatenate3A_173 : vector<10x2048xf32>
    %broadcast_in_dim3A_175 = arith.constant 0.000000e+00 : f32
    %broadcast_in_dim3A_176 = vector.broadcast %broadcast_in_dim3A_175 : f32 to vector<10x1024xf32>
    %slice3A_177 = vector.extract_strided_slice %add3A_174 {offsets = [0, 0], sizes = [10, 1024], strides = [1, 1]} : vector<10x2048xf32> to vector<10x1024xf32>
    %concatenate3A_178 = tpu.concatenate %broadcast_in_dim3A_176, %slice3A_177 in 1 : vector<10x1024xf32>, vector<10x1024xf32> -> vector<10x2048xf32>
    %add3A_179 = arith.addf %add3A_174, %concatenate3A_178 : vector<10x2048xf32>
    %broadcast_in_dim3A_180 = arith.constant 0.000000e+00 : f32
    %broadcast_in_dim3A_181 = vector.broadcast %broadcast_in_dim3A_180 : f32 to vector<10x1xf32>
    %slice3A_182 = vector.extract_strided_slice %slice3A {offsets = [0, 0], sizes = [10, 2047], strides = [1, 1]} : vector<10x2048xf32> to vector<10x2047xf32>
    %concatenate3A_183 = tpu.concatenate %broadcast_in_dim3A_181, %slice3A_182 in 1 : vector<10x1xf32>, vector<10x2047xf32> -> vector<10x2048xf32>
    %add3A_184 = arith.addf %slice3A, %concatenate3A_183 : vector<10x2048xf32>
    %broadcast_in_dim3A_185 = arith.constant 0.000000e+00 : f32
    %broadcast_in_dim3A_186 = vector.broadcast %broadcast_in_dim3A_185 : f32 to vector<10x2xf32>
    %slice3A_187 = vector.extract_strided_slice %add3A_184 {offsets = [0, 0], sizes = [10, 2046], strides = [1, 1]} : vector<10x2048xf32> to vector<10x2046xf32>
    %concatenate3A_188 = tpu.concatenate %broadcast_in_dim3A_186, %slice3A_187 in 1 : vector<10x2xf32>, vector<10x2046xf32> -> vector<10x2048xf32>
    %add3A_189 = arith.addf %add3A_184, %concatenate3A_188 : vector<10x2048xf32>
    %broadcast_in_dim3A_190 = arith.constant 0.000000e+00 : f32
    %broadcast_in_dim3A_191 = vector.broadcast %broadcast_in_dim3A_190 : f32 to vector<10x4xf32>
    %slice3A_192 = vector.extract_strided_slice %add3A_189 {offsets = [0, 0], sizes = [10, 2044], strides = [1, 1]} : vector<10x2048xf32> to vector<10x2044xf32>
    %concatenate3A_193 = tpu.concatenate %broadcast_in_dim3A_191, %slice3A_192 in 1 : vector<10x4xf32>, vector<10x2044xf32> -> vector<10x2048xf32>
    %add3A_194 = arith.addf %add3A_189, %concatenate3A_193 : vector<10x2048xf32>
    %broadcast_in_dim3A_195 = arith.constant 0.000000e+00 : f32
    %broadcast_in_dim3A_196 = vector.broadcast %broadcast_in_dim3A_195 : f32 to vector<10x8xf32>
    %slice3A_197 = vector.extract_strided_slice %add3A_194 {offsets = [0, 0], sizes = [10, 2040], strides = [1, 1]} : vector<10x2048xf32> to vector<10x2040xf32>
    %concatenate3A_198 = tpu.concatenate %broadcast_in_dim3A_196, %slice3A_197 in 1 : vector<10x8xf32>, vector<10x2040xf32> -> vector<10x2048xf32>
    %add3A_199 = arith.addf %add3A_194, %concatenate3A_198 : vector<10x2048xf32>
    %broadcast_in_dim3A_200 = arith.constant 0.000000e+00 : f32
    %broadcast_in_dim3A_201 = vector.broadcast %broadcast_in_dim3A_200 : f32 to vector<10x16xf32>
    %slice3A_202 = vector.extract_strided_slice %add3A_199 {offsets = [0, 0], sizes = [10, 2032], strides = [1, 1]} : vector<10x2048xf32> to vector<10x2032xf32>
    %concatenate3A_203 = tpu.concatenate %broadcast_in_dim3A_201, %slice3A_202 in 1 : vector<10x16xf32>, vector<10x2032xf32> -> vector<10x2048xf32>
    %add3A_204 = arith.addf %add3A_199, %concatenate3A_203 : vector<10x2048xf32>
    %broadcast_in_dim3A_205 = arith.constant 0.000000e+00 : f32
    %broadcast_in_dim3A_206 = vector.broadcast %broadcast_in_dim3A_205 : f32 to vector<10x32xf32>
    %slice3A_207 = vector.extract_strided_slice %add3A_204 {offsets = [0, 0], sizes = [10, 2016], strides = [1, 1]} : vector<10x2048xf32> to vector<10x2016xf32>
    %concatenate3A_208 = tpu.concatenate %broadcast_in_dim3A_206, %slice3A_207 in 1 : vector<10x32xf32>, vector<10x2016xf32> -> vector<10x2048xf32>
    %add3A_209 = arith.addf %add3A_204, %concatenate3A_208 : vector<10x2048xf32>
    %broadcast_in_dim3A_210 = arith.constant 0.000000e+00 : f32
    %broadcast_in_dim3A_211 = vector.broadcast %broadcast_in_dim3A_210 : f32 to vector<10x64xf32>
    %slice3A_212 = vector.extract_strided_slice %add3A_209 {offsets = [0, 0], sizes = [10, 1984], strides = [1, 1]} : vector<10x2048xf32> to vector<10x1984xf32>
    %concatenate3A_213 = tpu.concatenate %broadcast_in_dim3A_211, %slice3A_212 in 1 : vector<10x64xf32>, vector<10x1984xf32> -> vector<10x2048xf32>
    %add3A_214 = arith.addf %add3A_209, %concatenate3A_213 : vector<10x2048xf32>
    %broadcast_in_dim3A_215 = arith.constant 0.000000e+00 : f32
    %broadcast_in_dim3A_216 = vector.broadcast %broadcast_in_dim3A_215 : f32 to vector<10x128xf32>
    %slice3A_217 = vector.extract_strided_slice %add3A_214 {offsets = [0, 0], sizes = [10, 1920], strides = [1, 1]} : vector<10x2048xf32> to vector<10x1920xf32>
    %concatenate3A_218 = tpu.concatenate %broadcast_in_dim3A_216, %slice3A_217 in 1 : vector<10x128xf32>, vector<10x1920xf32> -> vector<10x2048xf32>
    %add3A_219 = arith.addf %add3A_214, %concatenate3A_218 : vector<10x2048xf32>
    %broadcast_in_dim3A_220 = arith.constant 0.000000e+00 : f32
    %broadcast_in_dim3A_221 = vector.broadcast %broadcast_in_dim3A_220 : f32 to vector<10x256xf32>
    %slice3A_222 = vector.extract_strided_slice %add3A_219 {offsets = [0, 0], sizes = [10, 1792], strides = [1, 1]} : vector<10x2048xf32> to vector<10x1792xf32>
    %concatenate3A_223 = tpu.concatenate %broadcast_in_dim3A_221, %slice3A_222 in 1 : vector<10x256xf32>, vector<10x1792xf32> -> vector<10x2048xf32>
    %add3A_224 = arith.addf %add3A_219, %concatenate3A_223 : vector<10x2048xf32>
    %broadcast_in_dim3A_225 = arith.constant 0.000000e+00 : f32
    %broadcast_in_dim3A_226 = vector.broadcast %broadcast_in_dim3A_225 : f32 to vector<10x512xf32>
    %slice3A_227 = vector.extract_strided_slice %add3A_224 {offsets = [0, 0], sizes = [10, 1536], strides = [1, 1]} : vector<10x2048xf32> to vector<10x1536xf32>
    %concatenate3A_228 = tpu.concatenate %broadcast_in_dim3A_226, %slice3A_227 in 1 : vector<10x512xf32>, vector<10x1536xf32> -> vector<10x2048xf32>
    %add3A_229 = arith.addf %add3A_224, %concatenate3A_228 : vector<10x2048xf32>
    %broadcast_in_dim3A_230 = arith.constant 0.000000e+00 : f32
    %broadcast_in_dim3A_231 = vector.broadcast %broadcast_in_dim3A_230 : f32 to vector<10x1024xf32>
    %slice3A_232 = vector.extract_strided_slice %add3A_229 {offsets = [0, 0], sizes = [10, 1024], strides = [1, 1]} : vector<10x2048xf32> to vector<10x1024xf32>
    %concatenate3A_233 = tpu.concatenate %broadcast_in_dim3A_231, %slice3A_232 in 1 : vector<10x1024xf32>, vector<10x1024xf32> -> vector<10x2048xf32>
    %add3A_234 = arith.addf %add3A_229, %concatenate3A_233 : vector<10x2048xf32>
    %slice3A_235 = vector.extract_strided_slice %add3A_179 {offsets = [0, 2047], sizes = [10, 1], strides = [1, 1]} : vector<10x2048xf32> to vector<10x1xf32>
    %slice3A_236 = vector.extract_strided_slice %add3A_234 {offsets = [0, 2047], sizes = [10, 1], strides = [1, 1]} : vector<10x2048xf32> to vector<10x1xf32>
    %sub3A = vector.broadcast %slice3A_235 : vector<10x1xf32> to vector<10x2048xf32>
    %sub3A_237 = arith.subf %sub3A, %add3A_179 : vector<10x2048xf32>
    %add3A_238 = arith.addf %sub3A_237, %add3A_126 : vector<10x2048xf32>
    %sub3A_239 = vector.broadcast %slice3A_236 : vector<10x1xf32> to vector<10x2048xf32>
    %sub3A_240 = arith.subf %sub3A_239, %add3A_234 : vector<10x2048xf32>
    %add3A_241 = arith.addf %sub3A_240, %slice3A : vector<10x2048xf32>
    %sub3A_242 = vector.broadcast %slice3A_236 : vector<10x1xf32> to vector<10x2048xf32>
    %sub3A_243 = arith.subf %sub3A_242, %add3A_241 : vector<10x2048xf32>
    %add3A_244 = vector.broadcast %slice3A_236 : vector<10x1xf32> to vector<10x2048xf32>
    %add3A_245 = arith.addf %add3A_244, %add3A_238 : vector<10x2048xf32>
    %sub3A_246 = arith.subf %add3A_245, %add3A_241 : vector<10x2048xf32>
    %max3A = arith.constant 1.000000e+00 : f32
    %max3A_247 = vector.broadcast %max3A : f32 to vector<10x2048xf32>
    %max3A_248 = arith.maximumf %sub3A_246, %max3A_247 : vector<10x2048xf32>
    %div3A = arith.divf %sub3A_243, %max3A_248 : vector<10x2048xf32>
    %sub3A_249 = arith.constant 1.000000e+00 : f32
    %sub3A_250 = vector.broadcast %sub3A_249 : f32 to vector<10x2048xf32>
    %sub3A_251 = arith.subf %sub3A_250, %div3A : vector<10x2048xf32>
    %sub3A_252 = arith.subf %add3A_241, %slice3A : vector<10x2048xf32>
    %sub3A_253 = vector.broadcast %slice3A_236 : vector<10x1xf32> to vector<10x2048xf32>
    %sub3A_254 = arith.subf %sub3A_253, %sub3A_252 : vector<10x2048xf32>
    %sub3A_255 = arith.subf %add3A_238, %add3A_126 : vector<10x2048xf32>
    %add3A_256 = vector.broadcast %slice3A_236 : vector<10x1xf32> to vector<10x2048xf32>
    %add3A_257 = arith.addf %add3A_256, %sub3A_255 : vector<10x2048xf32>
    %sub3A_258 = arith.subf %add3A_241, %slice3A : vector<10x2048xf32>
    %sub3A_259 = arith.subf %add3A_257, %sub3A_258 : vector<10x2048xf32>
    %max3A_260 = arith.constant 1.000000e+00 : f32
    %max3A_261 = vector.broadcast %max3A_260 : f32 to vector<10x2048xf32>
    %max3A_262 = arith.maximumf %sub3A_259, %max3A_261 : vector<10x2048xf32>
    %div3A_263 = arith.divf %sub3A_254, %max3A_262 : vector<10x2048xf32>
    %sub3A_264 = arith.constant 1.000000e+00 : f32
    %sub3A_265 = vector.broadcast %sub3A_264 : f32 to vector<10x2048xf32>
    %sub3A_266 = arith.subf %sub3A_265, %div3A_263 : vector<10x2048xf32>
    %iota3A = tpu.iota {dimensions = array<i32: 1>} : vector<10x2048xi32>
    %convert_element_type3A = arith.sitofp %iota3A : vector<10x2048xi32> to vector<10x2048xf32>
    %add3A_267 = arith.constant 5.000000e-01 : f32
    %add3A_268 = vector.broadcast %add3A_267 : f32 to vector<10x2048xf32>
    %add3A_269 = arith.addf %convert_element_type3A, %add3A_268 : vector<10x2048xf32>
    %div3A_270 = arith.constant 2.048000e+03 : f32
    %div3A_271 = vector.broadcast %div3A_270 : f32 to vector<10x2048xf32>
    %div3A_272 = arith.divf %add3A_269, %div3A_271 : vector<10x2048xf32>
    %sub3A_273 = arith.subf %sub3A_251, %sub3A_266 : vector<10x2048xf32>
    %mul3A = arith.mulf %div3A_272, %sub3A_273 : vector<10x2048xf32>
    %reduce_sum3A = arith.constant dense<0.000000e+00> : vector<10xf32>
    %reduce_sum3A_274 = vector.multi_reduction <add>, %mul3A, %reduce_sum3A [1] : vector<10x2048xf32> to vector<10xf32>
    %broadcast_in_dim3A_275 = vector.shape_cast %reduce_sum3A_274 : vector<10xf32> to vector<10x1xf32>
    %gt3A = arith.constant 0.000000e+00 : f32
    %gt3A_276 = vector.broadcast %gt3A : f32 to vector<10x1xf32>
    %gt3A_277 = arith.cmpf ogt, %slice3A_236, %gt3A_276 : vector<10x1xf32>
    %jit3A = arith.constant 0.000000e+00 : f32
    %broadcast_in_dim3A_278 = vector.broadcast %jit3A : f32 to vector<10x1xf32>
    %select_n3A = arith.select %gt3A_277, %broadcast_in_dim3A_275, %broadcast_in_dim3A_278 : vector<10x1xi1>, vector<10x1xf32>
    %reduce_sum3A_279 = vector.shape_cast %select_n3A : vector<10x1xf32> to vector<1x10x1xf32>
    %reduce_sum3A_280 = arith.constant dense<0.000000e+00> : vector<1xf32>
    %reduce_sum3A_281 = vector.multi_reduction <add>, %reduce_sum3A_279, %reduce_sum3A_280 [1, 2] : vector<1x10x1xf32> to vector<1xf32>
    %reduce_sum3A_282 = vector.shape_cast %reduce_sum3A_281 : vector<1xf32> to vector<1x1x1xf32>
    %reduce_sum3A_283 = vector.extract %reduce_sum3A_282[0, 0, 0] : f32 from vector<1x1x1xf32>
    %div3A_284 = arith.constant 1.000000e+01 : f32
    %div3A_285 = arith.divf %reduce_sum3A_283, %div3A_284 : f32
    %get3A_286 = arith.constant 0 : index
    %get3A_287 = arith.constant 0 : index
    %get3A_288 = arith.constant 0 : index
    %get3A_289 = vector.load %arg1[%get3A_286, %get3A_287, %get3A_288] : memref<2x64x128xf32, #tpu.memory_space<vmem>>, vector<1x64x128xf32>
    %get3A_290 = vector.shape_cast %get3A_289 : vector<1x64x128xf32> to vector<64x128xf32>
    %reduce_sum3A_291 = vector.shape_cast %get3A_290 : vector<64x128xf32> to vector<1x64x128xf32>
    %reduce_sum3A_292 = arith.constant dense<0.000000e+00> : vector<1xf32>
    %reduce_sum3A_293 = vector.multi_reduction <add>, %reduce_sum3A_291, %reduce_sum3A_292 [1, 2] : vector<1x64x128xf32> to vector<1xf32>
    %reduce_sum3A_294 = vector.shape_cast %reduce_sum3A_293 : vector<1xf32> to vector<1x1x1xf32>
    %reduce_sum3A_295 = vector.extract %reduce_sum3A_294[0, 0, 0] : f32 from vector<1x1x1xf32>
    %get3A_296 = arith.constant 1 : index
    %get3A_297 = arith.constant 0 : index
    %get3A_298 = arith.constant 0 : index
    %get3A_299 = vector.load %arg1[%get3A_296, %get3A_297, %get3A_298] : memref<2x64x128xf32, #tpu.memory_space<vmem>>, vector<1x64x128xf32>
    %get3A_300 = vector.shape_cast %get3A_299 : vector<1x64x128xf32> to vector<64x128xf32>
    %reduce_sum3A_301 = vector.shape_cast %get3A_300 : vector<64x128xf32> to vector<1x64x128xf32>
    %reduce_sum3A_302 = arith.constant dense<0.000000e+00> : vector<1xf32>
    %reduce_sum3A_303 = vector.multi_reduction <add>, %reduce_sum3A_301, %reduce_sum3A_302 [1, 2] : vector<1x64x128xf32> to vector<1xf32>
    %reduce_sum3A_304 = vector.shape_cast %reduce_sum3A_303 : vector<1xf32> to vector<1x1x1xf32>
    %reduce_sum3A_305 = vector.extract %reduce_sum3A_304[0, 0, 0] : f32 from vector<1x1x1xf32>
    %div3A_306 = arith.divf %reduce_sum3A_295, %reduce_sum3A_305 : f32
    %mul3A_307 = arith.constant 5.000000e-01 : f32
    %mul3A_308 = arith.mulf %mul3A_307, %div3A_306 : f32
    %mul3A_309 = arith.constant 5.000000e-01 : f32
    %mul3A_310 = arith.mulf %mul3A_309, %div3A_285 : f32
    %add3A_311 = arith.addf %mul3A_308, %mul3A_310 : f32
    %broadcast_in_dim3A_312 = vector.broadcast %add3A_311 : f32 to vector<8x128xf32>
    %swap3A = arith.constant 0 : index
    %swap3A_313 = arith.constant 0 : index
    %swap3A_314 = vector.load %arg2[%swap3A, %swap3A_313] : memref<8x128xf32, #tpu.memory_space<vmem>>, vector<8x128xf32>
    tpu.vector_store %arg2[%swap3A, %swap3A_313], %broadcast_in_dim3A_312 {strides = array<i32>} : memref<8x128xf32, #tpu.memory_space<vmem>>, vector<8x128xf32>,
    return
  }
}

module attributes {stable_mosaic.version = 14 : i64} {
  func.func @_p1_body(%arg0: i32, %arg1: i32, %arg2: memref<1x20x64x512xf32, #tpu.memory_space<vmem>>, %arg3: memref<1x64x512xi32, #tpu.memory_space<vmem>>, %arg4: memref<10x256x128xi32, #tpu.memory_space<vmem>>, %arg5: memref<2x64x128xf32, #tpu.memory_space<vmem>>) attributes {dimension_semantics = [#tpu.dimension_semantics<arbitrary>, #tpu.dimension_semantics<arbitrary>], iteration_bounds = array<i64: 4, 8>, scalar_prefetch = 0 : i64, scratch_operands = 0 : i64, tpu.core_type = #tpu.core_type<tc>, window_params = [{transform_indices = @transform_0, window_bounds = array<i64: 1, 20, 64, 512>}, {transform_indices = @transform_1, window_bounds = array<i64: 1, 64, 512>}, {transform_indices = @transform_2, window_bounds = array<i64: 10, 256, 128>}, {pipeline_mode = #tpu.pipeline_mode<synchronous>, transform_indices = @transform_3, window_bounds = array<i64: 2, 64, 128>}]} {
    %eq3A = arith.constant 0 : i32
    %eq3A_0 = arith.cmpi eq, %arg0, %eq3A : i32
    %eq3A_1 = arith.constant 0 : i32
    %eq3A_2 = arith.cmpi eq, %arg1, %eq3A_1 : i32
    %and3A = arith.andi %eq3A_0, %eq3A_2 : i1
    %convert_element_type3A = arith.extui %and3A : i1 to i32
    %cond3A = arith.constant 0 : i32
    %cond3A_3 = arith.cmpi ne, %convert_element_type3A, %cond3A : i32
    scf.if %cond3A_3 {
      %broadcast_in_dim3A_608 = arith.constant 0.000000e+00 : f32
      %broadcast_in_dim3A_609 = vector.broadcast %broadcast_in_dim3A_608 : f32 to vector<2x64x128xf32>
      %swap3A_610 = arith.constant 0 : index
      %swap3A_611 = arith.constant 0 : index
      %swap3A_612 = arith.constant 0 : index
      %swap3A_613 = vector.load %arg5[%swap3A_610, %swap3A_611, %swap3A_612] : memref<2x64x128xf32, #tpu.memory_space<vmem>>, vector<2x64x128xf32>
      tpu.vector_store %arg5[%swap3A_610, %swap3A_611, %swap3A_612], %broadcast_in_dim3A_609 {strides = array<i32>} : memref<2x64x128xf32, #tpu.memory_space<vmem>>, vector<2x64x128xf32>,
    } else {
    }
    %get3A = arith.constant 0 : index
    %get3A_4 = arith.constant 0 : index
    %get3A_5 = arith.constant 0 : index
    %get3A_6 = arith.constant 0 : index
    %get3A_7 = vector.load %arg2[%get3A, %get3A_4, %get3A_5, %get3A_6] : memref<1x20x64x512xf32, #tpu.memory_space<vmem>>, vector<1x20x64x512xf32>
    %get3A_8 = vector.shape_cast %get3A_7 : vector<1x20x64x512xf32> to vector<20x64x512xf32>
    %get3A_9 = arith.constant 0 : index
    %get3A_10 = arith.constant 0 : index
    %get3A_11 = arith.constant 0 : index
    %get3A_12 = vector.load %arg3[%get3A_9, %get3A_10, %get3A_11] : memref<1x64x512xi32, #tpu.memory_space<vmem>>, vector<1x64x512xi32>
    %get3A_13 = vector.shape_cast %get3A_12 : vector<1x64x512xi32> to vector<64x512xi32>
    %reduce_max3A = arith.constant dense<0xFF800000> : vector<64x512xf32>
    %reduce_max3A_14 = vector.multi_reduction <maximumf>, %get3A_8, %reduce_max3A [0] : vector<20x64x512xf32> to vector<64x512xf32>
    %broadcast_in_dim3A = vector.shape_cast %reduce_max3A_14 : vector<64x512xf32> to vector<1x64x512xf32>
    %sub3A = vector.broadcast %broadcast_in_dim3A : vector<1x64x512xf32> to vector<20x64x512xf32>
    %sub3A_15 = arith.subf %get3A_8, %sub3A : vector<20x64x512xf32>
    %exp3A = math.exp %sub3A_15 : vector<20x64x512xf32>
    %reduce_sum3A = arith.constant dense<0.000000e+00> : vector<64x512xf32>
    %reduce_sum3A_16 = vector.multi_reduction <add>, %exp3A, %reduce_sum3A [0] : vector<20x64x512xf32> to vector<64x512xf32>
    %log3A = math.log %reduce_sum3A_16 : vector<64x512xf32>
    %add3A = arith.addf %log3A, %reduce_max3A_14 : vector<64x512xf32>
    %broadcast_in_dim3A_17 = arith.constant 0.000000e+00 : f32
    %broadcast_in_dim3A_18 = vector.broadcast %broadcast_in_dim3A_17 : f32 to vector<64x512xf32>
    %eq3A_19 = arith.constant 0 : i32
    %eq3A_20 = vector.broadcast %eq3A_19 : i32 to vector<64x512xi32>
    %eq3A_21 = arith.cmpi eq, %get3A_13, %eq3A_20 : vector<64x512xi32>
    %slice3A = vector.extract_strided_slice %get3A_8 {offsets = [0, 0, 0], sizes = [1, 64, 512], strides = [1, 1, 1]} : vector<20x64x512xf32> to vector<1x64x512xf32>
    %squeeze3A = vector.shape_cast %slice3A : vector<1x64x512xf32> to vector<64x512xf32>
    %jit3A = arith.constant 0.000000e+00 : f32
    %broadcast_in_dim3A_22 = vector.broadcast %jit3A : f32 to vector<64x512xf32>
    %select_n3A = arith.select %eq3A_21, %squeeze3A, %broadcast_in_dim3A_22 : vector<64x512xi1>, vector<64x512xf32>
    %add3A_23 = arith.addf %broadcast_in_dim3A_18, %select_n3A : vector<64x512xf32>
    %convert_element_type3A_24 = arith.extui %eq3A_21 : vector<64x512xi1> to vector<64x512xi32>
    %convert_element_type3A_25 = arith.sitofp %convert_element_type3A_24 : vector<64x512xi32> to vector<64x512xf32>
    %eq3A_26 = arith.constant 1 : i32
    %eq3A_27 = vector.broadcast %eq3A_26 : i32 to vector<64x512xi32>
    %eq3A_28 = arith.cmpi eq, %get3A_13, %eq3A_27 : vector<64x512xi32>
    %slice3A_29 = vector.extract_strided_slice %get3A_8 {offsets = [1, 0, 0], sizes = [1, 64, 512], strides = [1, 1, 1]} : vector<20x64x512xf32> to vector<1x64x512xf32>
    %squeeze3A_30 = vector.shape_cast %slice3A_29 : vector<1x64x512xf32> to vector<64x512xf32>
    %jit3A_31 = arith.constant 0.000000e+00 : f32
    %broadcast_in_dim3A_32 = vector.broadcast %jit3A_31 : f32 to vector<64x512xf32>
    %select_n3A_33 = arith.select %eq3A_28, %squeeze3A_30, %broadcast_in_dim3A_32 : vector<64x512xi1>, vector<64x512xf32>
    %add3A_34 = arith.addf %add3A_23, %select_n3A_33 : vector<64x512xf32>
    %convert_element_type3A_35 = arith.extui %eq3A_28 : vector<64x512xi1> to vector<64x512xi32>
    %convert_element_type3A_36 = arith.sitofp %convert_element_type3A_35 : vector<64x512xi32> to vector<64x512xf32>
    %eq3A_37 = arith.constant 2 : i32
    %eq3A_38 = vector.broadcast %eq3A_37 : i32 to vector<64x512xi32>
    %eq3A_39 = arith.cmpi eq, %get3A_13, %eq3A_38 : vector<64x512xi32>
    %slice3A_40 = vector.extract_strided_slice %get3A_8 {offsets = [2, 0, 0], sizes = [1, 64, 512], strides = [1, 1, 1]} : vector<20x64x512xf32> to vector<1x64x512xf32>
    %squeeze3A_41 = vector.shape_cast %slice3A_40 : vector<1x64x512xf32> to vector<64x512xf32>
    %jit3A_42 = arith.constant 0.000000e+00 : f32
    %broadcast_in_dim3A_43 = vector.broadcast %jit3A_42 : f32 to vector<64x512xf32>
    %select_n3A_44 = arith.select %eq3A_39, %squeeze3A_41, %broadcast_in_dim3A_43 : vector<64x512xi1>, vector<64x512xf32>
    %add3A_45 = arith.addf %add3A_34, %select_n3A_44 : vector<64x512xf32>
    %convert_element_type3A_46 = arith.extui %eq3A_39 : vector<64x512xi1> to vector<64x512xi32>
    %convert_element_type3A_47 = arith.sitofp %convert_element_type3A_46 : vector<64x512xi32> to vector<64x512xf32>
    %eq3A_48 = arith.constant 3 : i32
    %eq3A_49 = vector.broadcast %eq3A_48 : i32 to vector<64x512xi32>
    %eq3A_50 = arith.cmpi eq, %get3A_13, %eq3A_49 : vector<64x512xi32>
    %slice3A_51 = vector.extract_strided_slice %get3A_8 {offsets = [3, 0, 0], sizes = [1, 64, 512], strides = [1, 1, 1]} : vector<20x64x512xf32> to vector<1x64x512xf32>
    %squeeze3A_52 = vector.shape_cast %slice3A_51 : vector<1x64x512xf32> to vector<64x512xf32>
    %jit3A_53 = arith.constant 0.000000e+00 : f32
    %broadcast_in_dim3A_54 = vector.broadcast %jit3A_53 : f32 to vector<64x512xf32>
    %select_n3A_55 = arith.select %eq3A_50, %squeeze3A_52, %broadcast_in_dim3A_54 : vector<64x512xi1>, vector<64x512xf32>
    %add3A_56 = arith.addf %add3A_45, %select_n3A_55 : vector<64x512xf32>
    %convert_element_type3A_57 = arith.extui %eq3A_50 : vector<64x512xi1> to vector<64x512xi32>
    %convert_element_type3A_58 = arith.sitofp %convert_element_type3A_57 : vector<64x512xi32> to vector<64x512xf32>
    %eq3A_59 = arith.constant 4 : i32
    %eq3A_60 = vector.broadcast %eq3A_59 : i32 to vector<64x512xi32>
    %eq3A_61 = arith.cmpi eq, %get3A_13, %eq3A_60 : vector<64x512xi32>
    %slice3A_62 = vector.extract_strided_slice %get3A_8 {offsets = [4, 0, 0], sizes = [1, 64, 512], strides = [1, 1, 1]} : vector<20x64x512xf32> to vector<1x64x512xf32>
    %squeeze3A_63 = vector.shape_cast %slice3A_62 : vector<1x64x512xf32> to vector<64x512xf32>
    %jit3A_64 = arith.constant 0.000000e+00 : f32
    %broadcast_in_dim3A_65 = vector.broadcast %jit3A_64 : f32 to vector<64x512xf32>
    %select_n3A_66 = arith.select %eq3A_61, %squeeze3A_63, %broadcast_in_dim3A_65 : vector<64x512xi1>, vector<64x512xf32>
    %add3A_67 = arith.addf %add3A_56, %select_n3A_66 : vector<64x512xf32>
    %convert_element_type3A_68 = arith.extui %eq3A_61 : vector<64x512xi1> to vector<64x512xi32>
    %convert_element_type3A_69 = arith.sitofp %convert_element_type3A_68 : vector<64x512xi32> to vector<64x512xf32>
    %eq3A_70 = arith.constant 5 : i32
    %eq3A_71 = vector.broadcast %eq3A_70 : i32 to vector<64x512xi32>
    %eq3A_72 = arith.cmpi eq, %get3A_13, %eq3A_71 : vector<64x512xi32>
    %slice3A_73 = vector.extract_strided_slice %get3A_8 {offsets = [5, 0, 0], sizes = [1, 64, 512], strides = [1, 1, 1]} : vector<20x64x512xf32> to vector<1x64x512xf32>
    %squeeze3A_74 = vector.shape_cast %slice3A_73 : vector<1x64x512xf32> to vector<64x512xf32>
    %jit3A_75 = arith.constant 0.000000e+00 : f32
    %broadcast_in_dim3A_76 = vector.broadcast %jit3A_75 : f32 to vector<64x512xf32>
    %select_n3A_77 = arith.select %eq3A_72, %squeeze3A_74, %broadcast_in_dim3A_76 : vector<64x512xi1>, vector<64x512xf32>
    %add3A_78 = arith.addf %add3A_67, %select_n3A_77 : vector<64x512xf32>
    %convert_element_type3A_79 = arith.extui %eq3A_72 : vector<64x512xi1> to vector<64x512xi32>
    %convert_element_type3A_80 = arith.sitofp %convert_element_type3A_79 : vector<64x512xi32> to vector<64x512xf32>
    %eq3A_81 = arith.constant 6 : i32
    %eq3A_82 = vector.broadcast %eq3A_81 : i32 to vector<64x512xi32>
    %eq3A_83 = arith.cmpi eq, %get3A_13, %eq3A_82 : vector<64x512xi32>
    %slice3A_84 = vector.extract_strided_slice %get3A_8 {offsets = [6, 0, 0], sizes = [1, 64, 512], strides = [1, 1, 1]} : vector<20x64x512xf32> to vector<1x64x512xf32>
    %squeeze3A_85 = vector.shape_cast %slice3A_84 : vector<1x64x512xf32> to vector<64x512xf32>
    %jit3A_86 = arith.constant 0.000000e+00 : f32
    %broadcast_in_dim3A_87 = vector.broadcast %jit3A_86 : f32 to vector<64x512xf32>
    %select_n3A_88 = arith.select %eq3A_83, %squeeze3A_85, %broadcast_in_dim3A_87 : vector<64x512xi1>, vector<64x512xf32>
    %add3A_89 = arith.addf %add3A_78, %select_n3A_88 : vector<64x512xf32>
    %convert_element_type3A_90 = arith.extui %eq3A_83 : vector<64x512xi1> to vector<64x512xi32>
    %convert_element_type3A_91 = arith.sitofp %convert_element_type3A_90 : vector<64x512xi32> to vector<64x512xf32>
    %eq3A_92 = arith.constant 7 : i32
    %eq3A_93 = vector.broadcast %eq3A_92 : i32 to vector<64x512xi32>
    %eq3A_94 = arith.cmpi eq, %get3A_13, %eq3A_93 : vector<64x512xi32>
    %slice3A_95 = vector.extract_strided_slice %get3A_8 {offsets = [7, 0, 0], sizes = [1, 64, 512], strides = [1, 1, 1]} : vector<20x64x512xf32> to vector<1x64x512xf32>
    %squeeze3A_96 = vector.shape_cast %slice3A_95 : vector<1x64x512xf32> to vector<64x512xf32>
    %jit3A_97 = arith.constant 0.000000e+00 : f32
    %broadcast_in_dim3A_98 = vector.broadcast %jit3A_97 : f32 to vector<64x512xf32>
    %select_n3A_99 = arith.select %eq3A_94, %squeeze3A_96, %broadcast_in_dim3A_98 : vector<64x512xi1>, vector<64x512xf32>
    %add3A_100 = arith.addf %add3A_89, %select_n3A_99 : vector<64x512xf32>
    %convert_element_type3A_101 = arith.extui %eq3A_94 : vector<64x512xi1> to vector<64x512xi32>
    %convert_element_type3A_102 = arith.sitofp %convert_element_type3A_101 : vector<64x512xi32> to vector<64x512xf32>
    %eq3A_103 = arith.constant 8 : i32
    %eq3A_104 = vector.broadcast %eq3A_103 : i32 to vector<64x512xi32>
    %eq3A_105 = arith.cmpi eq, %get3A_13, %eq3A_104 : vector<64x512xi32>
    %slice3A_106 = vector.extract_strided_slice %get3A_8 {offsets = [8, 0, 0], sizes = [1, 64, 512], strides = [1, 1, 1]} : vector<20x64x512xf32> to vector<1x64x512xf32>
    %squeeze3A_107 = vector.shape_cast %slice3A_106 : vector<1x64x512xf32> to vector<64x512xf32>
    %jit3A_108 = arith.constant 0.000000e+00 : f32
    %broadcast_in_dim3A_109 = vector.broadcast %jit3A_108 : f32 to vector<64x512xf32>
    %select_n3A_110 = arith.select %eq3A_105, %squeeze3A_107, %broadcast_in_dim3A_109 : vector<64x512xi1>, vector<64x512xf32>
    %add3A_111 = arith.addf %add3A_100, %select_n3A_110 : vector<64x512xf32>
    %convert_element_type3A_112 = arith.extui %eq3A_105 : vector<64x512xi1> to vector<64x512xi32>
    %convert_element_type3A_113 = arith.sitofp %convert_element_type3A_112 : vector<64x512xi32> to vector<64x512xf32>
    %eq3A_114 = arith.constant 9 : i32
    %eq3A_115 = vector.broadcast %eq3A_114 : i32 to vector<64x512xi32>
    %eq3A_116 = arith.cmpi eq, %get3A_13, %eq3A_115 : vector<64x512xi32>
    %slice3A_117 = vector.extract_strided_slice %get3A_8 {offsets = [9, 0, 0], sizes = [1, 64, 512], strides = [1, 1, 1]} : vector<20x64x512xf32> to vector<1x64x512xf32>
    %squeeze3A_118 = vector.shape_cast %slice3A_117 : vector<1x64x512xf32> to vector<64x512xf32>
    %jit3A_119 = arith.constant 0.000000e+00 : f32
    %broadcast_in_dim3A_120 = vector.broadcast %jit3A_119 : f32 to vector<64x512xf32>
    %select_n3A_121 = arith.select %eq3A_116, %squeeze3A_118, %broadcast_in_dim3A_120 : vector<64x512xi1>, vector<64x512xf32>
    %add3A_122 = arith.addf %add3A_111, %select_n3A_121 : vector<64x512xf32>
    %convert_element_type3A_123 = arith.extui %eq3A_116 : vector<64x512xi1> to vector<64x512xi32>
    %convert_element_type3A_124 = arith.sitofp %convert_element_type3A_123 : vector<64x512xi32> to vector<64x512xf32>
    %eq3A_125 = arith.constant 10 : i32
    %eq3A_126 = vector.broadcast %eq3A_125 : i32 to vector<64x512xi32>
    %eq3A_127 = arith.cmpi eq, %get3A_13, %eq3A_126 : vector<64x512xi32>
    %slice3A_128 = vector.extract_strided_slice %get3A_8 {offsets = [10, 0, 0], sizes = [1, 64, 512], strides = [1, 1, 1]} : vector<20x64x512xf32> to vector<1x64x512xf32>
    %squeeze3A_129 = vector.shape_cast %slice3A_128 : vector<1x64x512xf32> to vector<64x512xf32>
    %jit3A_130 = arith.constant 0.000000e+00 : f32
    %broadcast_in_dim3A_131 = vector.broadcast %jit3A_130 : f32 to vector<64x512xf32>
    %select_n3A_132 = arith.select %eq3A_127, %squeeze3A_129, %broadcast_in_dim3A_131 : vector<64x512xi1>, vector<64x512xf32>
    %add3A_133 = arith.addf %add3A_122, %select_n3A_132 : vector<64x512xf32>
    %eq3A_134 = arith.constant 11 : i32
    %eq3A_135 = vector.broadcast %eq3A_134 : i32 to vector<64x512xi32>
    %eq3A_136 = arith.cmpi eq, %get3A_13, %eq3A_135 : vector<64x512xi32>
    %slice3A_137 = vector.extract_strided_slice %get3A_8 {offsets = [11, 0, 0], sizes = [1, 64, 512], strides = [1, 1, 1]} : vector<20x64x512xf32> to vector<1x64x512xf32>
    %squeeze3A_138 = vector.shape_cast %slice3A_137 : vector<1x64x512xf32> to vector<64x512xf32>
    %jit3A_139 = arith.constant 0.000000e+00 : f32
    %broadcast_in_dim3A_140 = vector.broadcast %jit3A_139 : f32 to vector<64x512xf32>
    %select_n3A_141 = arith.select %eq3A_136, %squeeze3A_138, %broadcast_in_dim3A_140 : vector<64x512xi1>, vector<64x512xf32>
    %add3A_142 = arith.addf %add3A_133, %select_n3A_141 : vector<64x512xf32>
    %eq3A_143 = arith.constant 12 : i32
    %eq3A_144 = vector.broadcast %eq3A_143 : i32 to vector<64x512xi32>
    %eq3A_145 = arith.cmpi eq, %get3A_13, %eq3A_144 : vector<64x512xi32>
    %slice3A_146 = vector.extract_strided_slice %get3A_8 {offsets = [12, 0, 0], sizes = [1, 64, 512], strides = [1, 1, 1]} : vector<20x64x512xf32> to vector<1x64x512xf32>
    %squeeze3A_147 = vector.shape_cast %slice3A_146 : vector<1x64x512xf32> to vector<64x512xf32>
    %jit3A_148 = arith.constant 0.000000e+00 : f32
    %broadcast_in_dim3A_149 = vector.broadcast %jit3A_148 : f32 to vector<64x512xf32>
    %select_n3A_150 = arith.select %eq3A_145, %squeeze3A_147, %broadcast_in_dim3A_149 : vector<64x512xi1>, vector<64x512xf32>
    %add3A_151 = arith.addf %add3A_142, %select_n3A_150 : vector<64x512xf32>
    %eq3A_152 = arith.constant 13 : i32
    %eq3A_153 = vector.broadcast %eq3A_152 : i32 to vector<64x512xi32>
    %eq3A_154 = arith.cmpi eq, %get3A_13, %eq3A_153 : vector<64x512xi32>
    %slice3A_155 = vector.extract_strided_slice %get3A_8 {offsets = [13, 0, 0], sizes = [1, 64, 512], strides = [1, 1, 1]} : vector<20x64x512xf32> to vector<1x64x512xf32>
    %squeeze3A_156 = vector.shape_cast %slice3A_155 : vector<1x64x512xf32> to vector<64x512xf32>
    %jit3A_157 = arith.constant 0.000000e+00 : f32
    %broadcast_in_dim3A_158 = vector.broadcast %jit3A_157 : f32 to vector<64x512xf32>
    %select_n3A_159 = arith.select %eq3A_154, %squeeze3A_156, %broadcast_in_dim3A_158 : vector<64x512xi1>, vector<64x512xf32>
    %add3A_160 = arith.addf %add3A_151, %select_n3A_159 : vector<64x512xf32>
    %eq3A_161 = arith.constant 14 : i32
    %eq3A_162 = vector.broadcast %eq3A_161 : i32 to vector<64x512xi32>
    %eq3A_163 = arith.cmpi eq, %get3A_13, %eq3A_162 : vector<64x512xi32>
    %slice3A_164 = vector.extract_strided_slice %get3A_8 {offsets = [14, 0, 0], sizes = [1, 64, 512], strides = [1, 1, 1]} : vector<20x64x512xf32> to vector<1x64x512xf32>
    %squeeze3A_165 = vector.shape_cast %slice3A_164 : vector<1x64x512xf32> to vector<64x512xf32>
    %jit3A_166 = arith.constant 0.000000e+00 : f32
    %broadcast_in_dim3A_167 = vector.broadcast %jit3A_166 : f32 to vector<64x512xf32>
    %select_n3A_168 = arith.select %eq3A_163, %squeeze3A_165, %broadcast_in_dim3A_167 : vector<64x512xi1>, vector<64x512xf32>
    %add3A_169 = arith.addf %add3A_160, %select_n3A_168 : vector<64x512xf32>
    %eq3A_170 = arith.constant 15 : i32
    %eq3A_171 = vector.broadcast %eq3A_170 : i32 to vector<64x512xi32>
    %eq3A_172 = arith.cmpi eq, %get3A_13, %eq3A_171 : vector<64x512xi32>
    %slice3A_173 = vector.extract_strided_slice %get3A_8 {offsets = [15, 0, 0], sizes = [1, 64, 512], strides = [1, 1, 1]} : vector<20x64x512xf32> to vector<1x64x512xf32>
    %squeeze3A_174 = vector.shape_cast %slice3A_173 : vector<1x64x512xf32> to vector<64x512xf32>
    %jit3A_175 = arith.constant 0.000000e+00 : f32
    %broadcast_in_dim3A_176 = vector.broadcast %jit3A_175 : f32 to vector<64x512xf32>
    %select_n3A_177 = arith.select %eq3A_172, %squeeze3A_174, %broadcast_in_dim3A_176 : vector<64x512xi1>, vector<64x512xf32>
    %add3A_178 = arith.addf %add3A_169, %select_n3A_177 : vector<64x512xf32>
    %eq3A_179 = arith.constant 16 : i32
    %eq3A_180 = vector.broadcast %eq3A_179 : i32 to vector<64x512xi32>
    %eq3A_181 = arith.cmpi eq, %get3A_13, %eq3A_180 : vector<64x512xi32>
    %slice3A_182 = vector.extract_strided_slice %get3A_8 {offsets = [16, 0, 0], sizes = [1, 64, 512], strides = [1, 1, 1]} : vector<20x64x512xf32> to vector<1x64x512xf32>
    %squeeze3A_183 = vector.shape_cast %slice3A_182 : vector<1x64x512xf32> to vector<64x512xf32>
    %jit3A_184 = arith.constant 0.000000e+00 : f32
    %broadcast_in_dim3A_185 = vector.broadcast %jit3A_184 : f32 to vector<64x512xf32>
    %select_n3A_186 = arith.select %eq3A_181, %squeeze3A_183, %broadcast_in_dim3A_185 : vector<64x512xi1>, vector<64x512xf32>
    %add3A_187 = arith.addf %add3A_178, %select_n3A_186 : vector<64x512xf32>
    %eq3A_188 = arith.constant 17 : i32
    %eq3A_189 = vector.broadcast %eq3A_188 : i32 to vector<64x512xi32>
    %eq3A_190 = arith.cmpi eq, %get3A_13, %eq3A_189 : vector<64x512xi32>
    %slice3A_191 = vector.extract_strided_slice %get3A_8 {offsets = [17, 0, 0], sizes = [1, 64, 512], strides = [1, 1, 1]} : vector<20x64x512xf32> to vector<1x64x512xf32>
    %squeeze3A_192 = vector.shape_cast %slice3A_191 : vector<1x64x512xf32> to vector<64x512xf32>
    %jit3A_193 = arith.constant 0.000000e+00 : f32
    %broadcast_in_dim3A_194 = vector.broadcast %jit3A_193 : f32 to vector<64x512xf32>
    %select_n3A_195 = arith.select %eq3A_190, %squeeze3A_192, %broadcast_in_dim3A_194 : vector<64x512xi1>, vector<64x512xf32>
    %add3A_196 = arith.addf %add3A_187, %select_n3A_195 : vector<64x512xf32>
    %eq3A_197 = arith.constant 18 : i32
    %eq3A_198 = vector.broadcast %eq3A_197 : i32 to vector<64x512xi32>
    %eq3A_199 = arith.cmpi eq, %get3A_13, %eq3A_198 : vector<64x512xi32>
    %slice3A_200 = vector.extract_strided_slice %get3A_8 {offsets = [18, 0, 0], sizes = [1, 64, 512], strides = [1, 1, 1]} : vector<20x64x512xf32> to vector<1x64x512xf32>
    %squeeze3A_201 = vector.shape_cast %slice3A_200 : vector<1x64x512xf32> to vector<64x512xf32>
    %jit3A_202 = arith.constant 0.000000e+00 : f32
    %broadcast_in_dim3A_203 = vector.broadcast %jit3A_202 : f32 to vector<64x512xf32>
    %select_n3A_204 = arith.select %eq3A_199, %squeeze3A_201, %broadcast_in_dim3A_203 : vector<64x512xi1>, vector<64x512xf32>
    %add3A_205 = arith.addf %add3A_196, %select_n3A_204 : vector<64x512xf32>
    %eq3A_206 = arith.constant 19 : i32
    %eq3A_207 = vector.broadcast %eq3A_206 : i32 to vector<64x512xi32>
    %eq3A_208 = arith.cmpi eq, %get3A_13, %eq3A_207 : vector<64x512xi32>
    %slice3A_209 = vector.extract_strided_slice %get3A_8 {offsets = [19, 0, 0], sizes = [1, 64, 512], strides = [1, 1, 1]} : vector<20x64x512xf32> to vector<1x64x512xf32>
    %squeeze3A_210 = vector.shape_cast %slice3A_209 : vector<1x64x512xf32> to vector<64x512xf32>
    %jit3A_211 = arith.constant 0.000000e+00 : f32
    %broadcast_in_dim3A_212 = vector.broadcast %jit3A_211 : f32 to vector<64x512xf32>
    %select_n3A_213 = arith.select %eq3A_208, %squeeze3A_210, %broadcast_in_dim3A_212 : vector<64x512xi1>, vector<64x512xf32>
    %add3A_214 = arith.addf %add3A_205, %select_n3A_213 : vector<64x512xf32>
    %ne3A = arith.constant 19 : i32
    %ne3A_215 = vector.broadcast %ne3A : i32 to vector<64x512xi32>
    %ne3A_216 = arith.cmpi ne, %get3A_13, %ne3A_215 : vector<64x512xi32>
    %convert_element_type3A_217 = arith.extui %ne3A_216 : vector<64x512xi1> to vector<64x512xi32>
    %convert_element_type3A_218 = arith.sitofp %convert_element_type3A_217 : vector<64x512xi32> to vector<64x512xf32>
    %sub3A_219 = arith.subf %add3A, %add3A_214 : vector<64x512xf32>
    %mul3A = arith.mulf %sub3A_219, %convert_element_type3A_218 : vector<64x512xf32>
    %get3A_220 = arith.constant 0 : index
    %get3A_221 = arith.constant 0 : index
    %get3A_222 = arith.constant 0 : index
    %get3A_223 = vector.load %arg5[%get3A_220, %get3A_221, %get3A_222] : memref<2x64x128xf32, #tpu.memory_space<vmem>>, vector<1x64x128xf32>
    %get3A_224 = vector.shape_cast %get3A_223 : vector<1x64x128xf32> to vector<64x128xf32>
    %reshape3A = vector.shape_cast %mul3A : vector<64x512xf32> to vector<64x4x128xf32>
    %reduce_sum3A_225 = arith.constant dense<0.000000e+00> : vector<64x128xf32>
    %reduce_sum3A_226 = vector.multi_reduction <add>, %reshape3A, %reduce_sum3A_225 [1] : vector<64x4x128xf32> to vector<64x128xf32>
    %add3A_227 = arith.addf %get3A_224, %reduce_sum3A_226 : vector<64x128xf32>
    %swap3A = arith.constant 0 : index
    %swap3A_228 = arith.constant 0 : index
    %swap3A_229 = arith.constant 0 : index
    %swap3A_230 = vector.load %arg5[%swap3A, %swap3A_228, %swap3A_229] : memref<2x64x128xf32, #tpu.memory_space<vmem>>, vector<1x64x128xf32>
    %swap3A_231 = vector.shape_cast %swap3A_230 : vector<1x64x128xf32> to vector<64x128xf32>
    %swap3A_232 = vector.shape_cast %add3A_227 : vector<64x128xf32> to vector<1x64x128xf32>
    tpu.vector_store %arg5[%swap3A, %swap3A_228, %swap3A_229], %swap3A_232 {strides = array<i32>} : memref<2x64x128xf32, #tpu.memory_space<vmem>>, vector<1x64x128xf32>,
    %get3A_233 = arith.constant 1 : index
    %get3A_234 = arith.constant 0 : index
    %get3A_235 = arith.constant 0 : index
    %get3A_236 = vector.load %arg5[%get3A_233, %get3A_234, %get3A_235] : memref<2x64x128xf32, #tpu.memory_space<vmem>>, vector<1x64x128xf32>
    %get3A_237 = vector.shape_cast %get3A_236 : vector<1x64x128xf32> to vector<64x128xf32>
    %reshape3A_238 = vector.shape_cast %convert_element_type3A_218 : vector<64x512xf32> to vector<64x4x128xf32>
    %reduce_sum3A_239 = arith.constant dense<0.000000e+00> : vector<64x128xf32>
    %reduce_sum3A_240 = vector.multi_reduction <add>, %reshape3A_238, %reduce_sum3A_239 [1] : vector<64x4x128xf32> to vector<64x128xf32>
    %add3A_241 = arith.addf %get3A_237, %reduce_sum3A_240 : vector<64x128xf32>
    %swap3A_242 = arith.constant 1 : index
    %swap3A_243 = arith.constant 0 : index
    %swap3A_244 = arith.constant 0 : index
    %swap3A_245 = vector.load %arg5[%swap3A_242, %swap3A_243, %swap3A_244] : memref<2x64x128xf32, #tpu.memory_space<vmem>>, vector<1x64x128xf32>
    %swap3A_246 = vector.shape_cast %swap3A_245 : vector<1x64x128xf32> to vector<64x128xf32>
    %swap3A_247 = vector.shape_cast %add3A_241 : vector<64x128xf32> to vector<1x64x128xf32>
    tpu.vector_store %arg5[%swap3A_242, %swap3A_243, %swap3A_244], %swap3A_247 {strides = array<i32>} : memref<2x64x128xf32, #tpu.memory_space<vmem>>, vector<1x64x128xf32>,
    %div3A = arith.constant 1.000000e+00 : f32
    %div3A_248 = vector.broadcast %div3A : f32 to vector<64x512xf32>
    %div3A_249 = arith.divf %div3A_248, %reduce_sum3A_16 : vector<64x512xf32>
    %slice3A_250 = vector.extract_strided_slice %exp3A {offsets = [0, 0, 0], sizes = [1, 64, 512], strides = [1, 1, 1]} : vector<20x64x512xf32> to vector<1x64x512xf32>
    %squeeze3A_251 = vector.shape_cast %slice3A_250 : vector<1x64x512xf32> to vector<64x512xf32>
    %mul3A_252 = arith.mulf %squeeze3A_251, %div3A_249 : vector<64x512xf32>
    %sub3A_253 = arith.subf %convert_element_type3A_25, %mul3A_252 : vector<64x512xf32>
    %abs3A = math.absf %sub3A_253 : vector<64x512xf32>
    %mul3A_254 = arith.mulf %abs3A, %convert_element_type3A_218 : vector<64x512xf32>
    %mul3A_255 = arith.constant 2.048000e+03 : f32
    %mul3A_256 = vector.broadcast %mul3A_255 : f32 to vector<64x512xf32>
    %mul3A_257 = arith.mulf %mul3A_254, %mul3A_256 : vector<64x512xf32>
    %min3A = arith.constant 2.047000e+03 : f32
    %min3A_258 = vector.broadcast %min3A : f32 to vector<64x512xf32>
    %min3A_259 = arith.minimumf %mul3A_257, %min3A_258 : vector<64x512xf32>
    %mul3A_260 = arith.constant 2.048000e+04 : f32
    %mul3A_261 = vector.broadcast %mul3A_260 : f32 to vector<64x512xf32>
    %mul3A_262 = arith.mulf %convert_element_type3A_25, %mul3A_261 : vector<64x512xf32>
    %add3A_263 = arith.addf %min3A_259, %mul3A_262 : vector<64x512xf32>
    %add3A_264 = arith.constant 0.000000e+00 : f32
    %add3A_265 = vector.broadcast %add3A_264 : f32 to vector<64x512xf32>
    %add3A_266 = arith.addf %add3A_263, %add3A_265 : vector<64x512xf32>
    %convert_element_type3A_267 = arith.fptosi %add3A_266 : vector<64x512xf32> to vector<64x512xi32>
    %slice3A_268 = vector.extract_strided_slice %convert_element_type3A_267 {offsets = [0, 0], sizes = [32, 512], strides = [1, 1]} : vector<64x512xi32> to vector<32x512xi32>
    %reshape3A_269 = vector.shape_cast %slice3A_268 : vector<32x512xi32> to vector<128x128xi32>
    %swap3A_270 = arith.constant 0 : index
    %swap3A_271 = arith.constant 0 : index
    %swap3A_272 = arith.constant 0 : index
    %swap3A_273 = vector.load %arg4[%swap3A_270, %swap3A_271, %swap3A_272] : memref<10x256x128xi32, #tpu.memory_space<vmem>>, vector<1x128x128xi32>
    %swap3A_274 = vector.shape_cast %swap3A_273 : vector<1x128x128xi32> to vector<128x128xi32>
    %swap3A_275 = vector.shape_cast %reshape3A_269 : vector<128x128xi32> to vector<1x128x128xi32>
    tpu.vector_store %arg4[%swap3A_270, %swap3A_271, %swap3A_272], %swap3A_275 {strides = array<i32>} : memref<10x256x128xi32, #tpu.memory_space<vmem>>, vector<1x128x128xi32>,
    %slice3A_276 = vector.extract_strided_slice %convert_element_type3A_267 {offsets = [32, 0], sizes = [32, 512], strides = [1, 1]} : vector<64x512xi32> to vector<32x512xi32>
    %reshape3A_277 = vector.shape_cast %slice3A_276 : vector<32x512xi32> to vector<128x128xi32>
    %swap3A_278 = arith.constant 0 : index
    %swap3A_279 = arith.constant 128 : index
    %swap3A_280 = arith.constant 0 : index
    %swap3A_281 = vector.load %arg4[%swap3A_278, %swap3A_279, %swap3A_280] : memref<10x256x128xi32, #tpu.memory_space<vmem>>, vector<1x128x128xi32>
    %swap3A_282 = vector.shape_cast %swap3A_281 : vector<1x128x128xi32> to vector<128x128xi32>
    %swap3A_283 = vector.shape_cast %reshape3A_277 : vector<128x128xi32> to vector<1x128x128xi32>
    tpu.vector_store %arg4[%swap3A_278, %swap3A_279, %swap3A_280], %swap3A_283 {strides = array<i32>} : memref<10x256x128xi32, #tpu.memory_space<vmem>>, vector<1x128x128xi32>,
    %slice3A_284 = vector.extract_strided_slice %exp3A {offsets = [1, 0, 0], sizes = [1, 64, 512], strides = [1, 1, 1]} : vector<20x64x512xf32> to vector<1x64x512xf32>
    %squeeze3A_285 = vector.shape_cast %slice3A_284 : vector<1x64x512xf32> to vector<64x512xf32>
    %mul3A_286 = arith.mulf %squeeze3A_285, %div3A_249 : vector<64x512xf32>
    %sub3A_287 = arith.subf %convert_element_type3A_36, %mul3A_286 : vector<64x512xf32>
    %abs3A_288 = math.absf %sub3A_287 : vector<64x512xf32>
    %mul3A_289 = arith.mulf %abs3A_288, %convert_element_type3A_218 : vector<64x512xf32>
    %mul3A_290 = arith.constant 2.048000e+03 : f32
    %mul3A_291 = vector.broadcast %mul3A_290 : f32 to vector<64x512xf32>
    %mul3A_292 = arith.mulf %mul3A_289, %mul3A_291 : vector<64x512xf32>
    %min3A_293 = arith.constant 2.047000e+03 : f32
    %min3A_294 = vector.broadcast %min3A_293 : f32 to vector<64x512xf32>
    %min3A_295 = arith.minimumf %mul3A_292, %min3A_294 : vector<64x512xf32>
    %mul3A_296 = arith.constant 2.048000e+04 : f32
    %mul3A_297 = vector.broadcast %mul3A_296 : f32 to vector<64x512xf32>
    %mul3A_298 = arith.mulf %convert_element_type3A_36, %mul3A_297 : vector<64x512xf32>
    %add3A_299 = arith.addf %min3A_295, %mul3A_298 : vector<64x512xf32>
    %add3A_300 = arith.constant 2.048000e+03 : f32
    %add3A_301 = vector.broadcast %add3A_300 : f32 to vector<64x512xf32>
    %add3A_302 = arith.addf %add3A_299, %add3A_301 : vector<64x512xf32>
    %convert_element_type3A_303 = arith.fptosi %add3A_302 : vector<64x512xf32> to vector<64x512xi32>
    %slice3A_304 = vector.extract_strided_slice %convert_element_type3A_303 {offsets = [0, 0], sizes = [32, 512], strides = [1, 1]} : vector<64x512xi32> to vector<32x512xi32>
    %reshape3A_305 = vector.shape_cast %slice3A_304 : vector<32x512xi32> to vector<128x128xi32>
    %swap3A_306 = arith.constant 1 : index
    %swap3A_307 = arith.constant 0 : index
    %swap3A_308 = arith.constant 0 : index
    %swap3A_309 = vector.load %arg4[%swap3A_306, %swap3A_307, %swap3A_308] : memref<10x256x128xi32, #tpu.memory_space<vmem>>, vector<1x128x128xi32>
    %swap3A_310 = vector.shape_cast %swap3A_309 : vector<1x128x128xi32> to vector<128x128xi32>
    %swap3A_311 = vector.shape_cast %reshape3A_305 : vector<128x128xi32> to vector<1x128x128xi32>
    tpu.vector_store %arg4[%swap3A_306, %swap3A_307, %swap3A_308], %swap3A_311 {strides = array<i32>} : memref<10x256x128xi32, #tpu.memory_space<vmem>>, vector<1x128x128xi32>,
    %slice3A_312 = vector.extract_strided_slice %convert_element_type3A_303 {offsets = [32, 0], sizes = [32, 512], strides = [1, 1]} : vector<64x512xi32> to vector<32x512xi32>
    %reshape3A_313 = vector.shape_cast %slice3A_312 : vector<32x512xi32> to vector<128x128xi32>
    %swap3A_314 = arith.constant 1 : index
    %swap3A_315 = arith.constant 128 : index
    %swap3A_316 = arith.constant 0 : index
    %swap3A_317 = vector.load %arg4[%swap3A_314, %swap3A_315, %swap3A_316] : memref<10x256x128xi32, #tpu.memory_space<vmem>>, vector<1x128x128xi32>
    %swap3A_318 = vector.shape_cast %swap3A_317 : vector<1x128x128xi32> to vector<128x128xi32>
    %swap3A_319 = vector.shape_cast %reshape3A_313 : vector<128x128xi32> to vector<1x128x128xi32>
    tpu.vector_store %arg4[%swap3A_314, %swap3A_315, %swap3A_316], %swap3A_319 {strides = array<i32>} : memref<10x256x128xi32, #tpu.memory_space<vmem>>, vector<1x128x128xi32>,
    %slice3A_320 = vector.extract_strided_slice %exp3A {offsets = [2, 0, 0], sizes = [1, 64, 512], strides = [1, 1, 1]} : vector<20x64x512xf32> to vector<1x64x512xf32>
    %squeeze3A_321 = vector.shape_cast %slice3A_320 : vector<1x64x512xf32> to vector<64x512xf32>
    %mul3A_322 = arith.mulf %squeeze3A_321, %div3A_249 : vector<64x512xf32>
    %sub3A_323 = arith.subf %convert_element_type3A_47, %mul3A_322 : vector<64x512xf32>
    %abs3A_324 = math.absf %sub3A_323 : vector<64x512xf32>
    %mul3A_325 = arith.mulf %abs3A_324, %convert_element_type3A_218 : vector<64x512xf32>
    %mul3A_326 = arith.constant 2.048000e+03 : f32
    %mul3A_327 = vector.broadcast %mul3A_326 : f32 to vector<64x512xf32>
    %mul3A_328 = arith.mulf %mul3A_325, %mul3A_327 : vector<64x512xf32>
    %min3A_329 = arith.constant 2.047000e+03 : f32
    %min3A_330 = vector.broadcast %min3A_329 : f32 to vector<64x512xf32>
    %min3A_331 = arith.minimumf %mul3A_328, %min3A_330 : vector<64x512xf32>
    %mul3A_332 = arith.constant 2.048000e+04 : f32
    %mul3A_333 = vector.broadcast %mul3A_332 : f32 to vector<64x512xf32>
    %mul3A_334 = arith.mulf %convert_element_type3A_47, %mul3A_333 : vector<64x512xf32>
    %add3A_335 = arith.addf %min3A_331, %mul3A_334 : vector<64x512xf32>
    %add3A_336 = arith.constant 4.096000e+03 : f32
    %add3A_337 = vector.broadcast %add3A_336 : f32 to vector<64x512xf32>
    %add3A_338 = arith.addf %add3A_335, %add3A_337 : vector<64x512xf32>
    %convert_element_type3A_339 = arith.fptosi %add3A_338 : vector<64x512xf32> to vector<64x512xi32>
    %slice3A_340 = vector.extract_strided_slice %convert_element_type3A_339 {offsets = [0, 0], sizes = [32, 512], strides = [1, 1]} : vector<64x512xi32> to vector<32x512xi32>
    %reshape3A_341 = vector.shape_cast %slice3A_340 : vector<32x512xi32> to vector<128x128xi32>
    %swap3A_342 = arith.constant 2 : index
    %swap3A_343 = arith.constant 0 : index
    %swap3A_344 = arith.constant 0 : index
    %swap3A_345 = vector.load %arg4[%swap3A_342, %swap3A_343, %swap3A_344] : memref<10x256x128xi32, #tpu.memory_space<vmem>>, vector<1x128x128xi32>
    %swap3A_346 = vector.shape_cast %swap3A_345 : vector<1x128x128xi32> to vector<128x128xi32>
    %swap3A_347 = vector.shape_cast %reshape3A_341 : vector<128x128xi32> to vector<1x128x128xi32>
    tpu.vector_store %arg4[%swap3A_342, %swap3A_343, %swap3A_344], %swap3A_347 {strides = array<i32>} : memref<10x256x128xi32, #tpu.memory_space<vmem>>, vector<1x128x128xi32>,
    %slice3A_348 = vector.extract_strided_slice %convert_element_type3A_339 {offsets = [32, 0], sizes = [32, 512], strides = [1, 1]} : vector<64x512xi32> to vector<32x512xi32>
    %reshape3A_349 = vector.shape_cast %slice3A_348 : vector<32x512xi32> to vector<128x128xi32>
    %swap3A_350 = arith.constant 2 : index
    %swap3A_351 = arith.constant 128 : index
    %swap3A_352 = arith.constant 0 : index
    %swap3A_353 = vector.load %arg4[%swap3A_350, %swap3A_351, %swap3A_352] : memref<10x256x128xi32, #tpu.memory_space<vmem>>, vector<1x128x128xi32>
    %swap3A_354 = vector.shape_cast %swap3A_353 : vector<1x128x128xi32> to vector<128x128xi32>
    %swap3A_355 = vector.shape_cast %reshape3A_349 : vector<128x128xi32> to vector<1x128x128xi32>
    tpu.vector_store %arg4[%swap3A_350, %swap3A_351, %swap3A_352], %swap3A_355 {strides = array<i32>} : memref<10x256x128xi32, #tpu.memory_space<vmem>>, vector<1x128x128xi32>,
    %slice3A_356 = vector.extract_strided_slice %exp3A {offsets = [3, 0, 0], sizes = [1, 64, 512], strides = [1, 1, 1]} : vector<20x64x512xf32> to vector<1x64x512xf32>
    %squeeze3A_357 = vector.shape_cast %slice3A_356 : vector<1x64x512xf32> to vector<64x512xf32>
    %mul3A_358 = arith.mulf %squeeze3A_357, %div3A_249 : vector<64x512xf32>
    %sub3A_359 = arith.subf %convert_element_type3A_58, %mul3A_358 : vector<64x512xf32>
    %abs3A_360 = math.absf %sub3A_359 : vector<64x512xf32>
    %mul3A_361 = arith.mulf %abs3A_360, %convert_element_type3A_218 : vector<64x512xf32>
    %mul3A_362 = arith.constant 2.048000e+03 : f32
    %mul3A_363 = vector.broadcast %mul3A_362 : f32 to vector<64x512xf32>
    %mul3A_364 = arith.mulf %mul3A_361, %mul3A_363 : vector<64x512xf32>
    %min3A_365 = arith.constant 2.047000e+03 : f32
    %min3A_366 = vector.broadcast %min3A_365 : f32 to vector<64x512xf32>
    %min3A_367 = arith.minimumf %mul3A_364, %min3A_366 : vector<64x512xf32>
    %mul3A_368 = arith.constant 2.048000e+04 : f32
    %mul3A_369 = vector.broadcast %mul3A_368 : f32 to vector<64x512xf32>
    %mul3A_370 = arith.mulf %convert_element_type3A_58, %mul3A_369 : vector<64x512xf32>
    %add3A_371 = arith.addf %min3A_367, %mul3A_370 : vector<64x512xf32>
    %add3A_372 = arith.constant 6.144000e+03 : f32
    %add3A_373 = vector.broadcast %add3A_372 : f32 to vector<64x512xf32>
    %add3A_374 = arith.addf %add3A_371, %add3A_373 : vector<64x512xf32>
    %convert_element_type3A_375 = arith.fptosi %add3A_374 : vector<64x512xf32> to vector<64x512xi32>
    %slice3A_376 = vector.extract_strided_slice %convert_element_type3A_375 {offsets = [0, 0], sizes = [32, 512], strides = [1, 1]} : vector<64x512xi32> to vector<32x512xi32>
    %reshape3A_377 = vector.shape_cast %slice3A_376 : vector<32x512xi32> to vector<128x128xi32>
    %swap3A_378 = arith.constant 3 : index
    %swap3A_379 = arith.constant 0 : index
    %swap3A_380 = arith.constant 0 : index
    %swap3A_381 = vector.load %arg4[%swap3A_378, %swap3A_379, %swap3A_380] : memref<10x256x128xi32, #tpu.memory_space<vmem>>, vector<1x128x128xi32>
    %swap3A_382 = vector.shape_cast %swap3A_381 : vector<1x128x128xi32> to vector<128x128xi32>
    %swap3A_383 = vector.shape_cast %reshape3A_377 : vector<128x128xi32> to vector<1x128x128xi32>
    tpu.vector_store %arg4[%swap3A_378, %swap3A_379, %swap3A_380], %swap3A_383 {strides = array<i32>} : memref<10x256x128xi32, #tpu.memory_space<vmem>>, vector<1x128x128xi32>,
    %slice3A_384 = vector.extract_strided_slice %convert_element_type3A_375 {offsets = [32, 0], sizes = [32, 512], strides = [1, 1]} : vector<64x512xi32> to vector<32x512xi32>
    %reshape3A_385 = vector.shape_cast %slice3A_384 : vector<32x512xi32> to vector<128x128xi32>
    %swap3A_386 = arith.constant 3 : index
    %swap3A_387 = arith.constant 128 : index
    %swap3A_388 = arith.constant 0 : index
    %swap3A_389 = vector.load %arg4[%swap3A_386, %swap3A_387, %swap3A_388] : memref<10x256x128xi32, #tpu.memory_space<vmem>>, vector<1x128x128xi32>
    %swap3A_390 = vector.shape_cast %swap3A_389 : vector<1x128x128xi32> to vector<128x128xi32>
    %swap3A_391 = vector.shape_cast %reshape3A_385 : vector<128x128xi32> to vector<1x128x128xi32>
    tpu.vector_store %arg4[%swap3A_386, %swap3A_387, %swap3A_388], %swap3A_391 {strides = array<i32>} : memref<10x256x128xi32, #tpu.memory_space<vmem>>, vector<1x128x128xi32>,
    %slice3A_392 = vector.extract_strided_slice %exp3A {offsets = [4, 0, 0], sizes = [1, 64, 512], strides = [1, 1, 1]} : vector<20x64x512xf32> to vector<1x64x512xf32>
    %squeeze3A_393 = vector.shape_cast %slice3A_392 : vector<1x64x512xf32> to vector<64x512xf32>
    %mul3A_394 = arith.mulf %squeeze3A_393, %div3A_249 : vector<64x512xf32>
    %sub3A_395 = arith.subf %convert_element_type3A_69, %mul3A_394 : vector<64x512xf32>
    %abs3A_396 = math.absf %sub3A_395 : vector<64x512xf32>
    %mul3A_397 = arith.mulf %abs3A_396, %convert_element_type3A_218 : vector<64x512xf32>
    %mul3A_398 = arith.constant 2.048000e+03 : f32
    %mul3A_399 = vector.broadcast %mul3A_398 : f32 to vector<64x512xf32>
    %mul3A_400 = arith.mulf %mul3A_397, %mul3A_399 : vector<64x512xf32>
    %min3A_401 = arith.constant 2.047000e+03 : f32
    %min3A_402 = vector.broadcast %min3A_401 : f32 to vector<64x512xf32>
    %min3A_403 = arith.minimumf %mul3A_400, %min3A_402 : vector<64x512xf32>
    %mul3A_404 = arith.constant 2.048000e+04 : f32
    %mul3A_405 = vector.broadcast %mul3A_404 : f32 to vector<64x512xf32>
    %mul3A_406 = arith.mulf %convert_element_type3A_69, %mul3A_405 : vector<64x512xf32>
    %add3A_407 = arith.addf %min3A_403, %mul3A_406 : vector<64x512xf32>
    %add3A_408 = arith.constant 8.192000e+03 : f32
    %add3A_409 = vector.broadcast %add3A_408 : f32 to vector<64x512xf32>
    %add3A_410 = arith.addf %add3A_407, %add3A_409 : vector<64x512xf32>
    %convert_element_type3A_411 = arith.fptosi %add3A_410 : vector<64x512xf32> to vector<64x512xi32>
    %slice3A_412 = vector.extract_strided_slice %convert_element_type3A_411 {offsets = [0, 0], sizes = [32, 512], strides = [1, 1]} : vector<64x512xi32> to vector<32x512xi32>
    %reshape3A_413 = vector.shape_cast %slice3A_412 : vector<32x512xi32> to vector<128x128xi32>
    %swap3A_414 = arith.constant 4 : index
    %swap3A_415 = arith.constant 0 : index
    %swap3A_416 = arith.constant 0 : index
    %swap3A_417 = vector.load %arg4[%swap3A_414, %swap3A_415, %swap3A_416] : memref<10x256x128xi32, #tpu.memory_space<vmem>>, vector<1x128x128xi32>
    %swap3A_418 = vector.shape_cast %swap3A_417 : vector<1x128x128xi32> to vector<128x128xi32>
    %swap3A_419 = vector.shape_cast %reshape3A_413 : vector<128x128xi32> to vector<1x128x128xi32>
    tpu.vector_store %arg4[%swap3A_414, %swap3A_415, %swap3A_416], %swap3A_419 {strides = array<i32>} : memref<10x256x128xi32, #tpu.memory_space<vmem>>, vector<1x128x128xi32>,
    %slice3A_420 = vector.extract_strided_slice %convert_element_type3A_411 {offsets = [32, 0], sizes = [32, 512], strides = [1, 1]} : vector<64x512xi32> to vector<32x512xi32>
    %reshape3A_421 = vector.shape_cast %slice3A_420 : vector<32x512xi32> to vector<128x128xi32>
    %swap3A_422 = arith.constant 4 : index
    %swap3A_423 = arith.constant 128 : index
    %swap3A_424 = arith.constant 0 : index
    %swap3A_425 = vector.load %arg4[%swap3A_422, %swap3A_423, %swap3A_424] : memref<10x256x128xi32, #tpu.memory_space<vmem>>, vector<1x128x128xi32>
    %swap3A_426 = vector.shape_cast %swap3A_425 : vector<1x128x128xi32> to vector<128x128xi32>
    %swap3A_427 = vector.shape_cast %reshape3A_421 : vector<128x128xi32> to vector<1x128x128xi32>
    tpu.vector_store %arg4[%swap3A_422, %swap3A_423, %swap3A_424], %swap3A_427 {strides = array<i32>} : memref<10x256x128xi32, #tpu.memory_space<vmem>>, vector<1x128x128xi32>,
    %slice3A_428 = vector.extract_strided_slice %exp3A {offsets = [5, 0, 0], sizes = [1, 64, 512], strides = [1, 1, 1]} : vector<20x64x512xf32> to vector<1x64x512xf32>
    %squeeze3A_429 = vector.shape_cast %slice3A_428 : vector<1x64x512xf32> to vector<64x512xf32>
    %mul3A_430 = arith.mulf %squeeze3A_429, %div3A_249 : vector<64x512xf32>
    %sub3A_431 = arith.subf %convert_element_type3A_80, %mul3A_430 : vector<64x512xf32>
    %abs3A_432 = math.absf %sub3A_431 : vector<64x512xf32>
    %mul3A_433 = arith.mulf %abs3A_432, %convert_element_type3A_218 : vector<64x512xf32>
    %mul3A_434 = arith.constant 2.048000e+03 : f32
    %mul3A_435 = vector.broadcast %mul3A_434 : f32 to vector<64x512xf32>
    %mul3A_436 = arith.mulf %mul3A_433, %mul3A_435 : vector<64x512xf32>
    %min3A_437 = arith.constant 2.047000e+03 : f32
    %min3A_438 = vector.broadcast %min3A_437 : f32 to vector<64x512xf32>
    %min3A_439 = arith.minimumf %mul3A_436, %min3A_438 : vector<64x512xf32>
    %mul3A_440 = arith.constant 2.048000e+04 : f32
    %mul3A_441 = vector.broadcast %mul3A_440 : f32 to vector<64x512xf32>
    %mul3A_442 = arith.mulf %convert_element_type3A_80, %mul3A_441 : vector<64x512xf32>
    %add3A_443 = arith.addf %min3A_439, %mul3A_442 : vector<64x512xf32>
    %add3A_444 = arith.constant 1.024000e+04 : f32
    %add3A_445 = vector.broadcast %add3A_444 : f32 to vector<64x512xf32>
    %add3A_446 = arith.addf %add3A_443, %add3A_445 : vector<64x512xf32>
    %convert_element_type3A_447 = arith.fptosi %add3A_446 : vector<64x512xf32> to vector<64x512xi32>
    %slice3A_448 = vector.extract_strided_slice %convert_element_type3A_447 {offsets = [0, 0], sizes = [32, 512], strides = [1, 1]} : vector<64x512xi32> to vector<32x512xi32>
    %reshape3A_449 = vector.shape_cast %slice3A_448 : vector<32x512xi32> to vector<128x128xi32>
    %swap3A_450 = arith.constant 5 : index
    %swap3A_451 = arith.constant 0 : index
    %swap3A_452 = arith.constant 0 : index
    %swap3A_453 = vector.load %arg4[%swap3A_450, %swap3A_451, %swap3A_452] : memref<10x256x128xi32, #tpu.memory_space<vmem>>, vector<1x128x128xi32>
    %swap3A_454 = vector.shape_cast %swap3A_453 : vector<1x128x128xi32> to vector<128x128xi32>
    %swap3A_455 = vector.shape_cast %reshape3A_449 : vector<128x128xi32> to vector<1x128x128xi32>
    tpu.vector_store %arg4[%swap3A_450, %swap3A_451, %swap3A_452], %swap3A_455 {strides = array<i32>} : memref<10x256x128xi32, #tpu.memory_space<vmem>>, vector<1x128x128xi32>,
    %slice3A_456 = vector.extract_strided_slice %convert_element_type3A_447 {offsets = [32, 0], sizes = [32, 512], strides = [1, 1]} : vector<64x512xi32> to vector<32x512xi32>
    %reshape3A_457 = vector.shape_cast %slice3A_456 : vector<32x512xi32> to vector<128x128xi32>
    %swap3A_458 = arith.constant 5 : index
    %swap3A_459 = arith.constant 128 : index
    %swap3A_460 = arith.constant 0 : index
    %swap3A_461 = vector.load %arg4[%swap3A_458, %swap3A_459, %swap3A_460] : memref<10x256x128xi32, #tpu.memory_space<vmem>>, vector<1x128x128xi32>
    %swap3A_462 = vector.shape_cast %swap3A_461 : vector<1x128x128xi32> to vector<128x128xi32>
    %swap3A_463 = vector.shape_cast %reshape3A_457 : vector<128x128xi32> to vector<1x128x128xi32>
    tpu.vector_store %arg4[%swap3A_458, %swap3A_459, %swap3A_460], %swap3A_463 {strides = array<i32>} : memref<10x256x128xi32, #tpu.memory_space<vmem>>, vector<1x128x128xi32>,
    %slice3A_464 = vector.extract_strided_slice %exp3A {offsets = [6, 0, 0], sizes = [1, 64, 512], strides = [1, 1, 1]} : vector<20x64x512xf32> to vector<1x64x512xf32>
    %squeeze3A_465 = vector.shape_cast %slice3A_464 : vector<1x64x512xf32> to vector<64x512xf32>
    %mul3A_466 = arith.mulf %squeeze3A_465, %div3A_249 : vector<64x512xf32>
    %sub3A_467 = arith.subf %convert_element_type3A_91, %mul3A_466 : vector<64x512xf32>
    %abs3A_468 = math.absf %sub3A_467 : vector<64x512xf32>
    %mul3A_469 = arith.mulf %abs3A_468, %convert_element_type3A_218 : vector<64x512xf32>
    %mul3A_470 = arith.constant 2.048000e+03 : f32
    %mul3A_471 = vector.broadcast %mul3A_470 : f32 to vector<64x512xf32>
    %mul3A_472 = arith.mulf %mul3A_469, %mul3A_471 : vector<64x512xf32>
    %min3A_473 = arith.constant 2.047000e+03 : f32
    %min3A_474 = vector.broadcast %min3A_473 : f32 to vector<64x512xf32>
    %min3A_475 = arith.minimumf %mul3A_472, %min3A_474 : vector<64x512xf32>
    %mul3A_476 = arith.constant 2.048000e+04 : f32
    %mul3A_477 = vector.broadcast %mul3A_476 : f32 to vector<64x512xf32>
    %mul3A_478 = arith.mulf %convert_element_type3A_91, %mul3A_477 : vector<64x512xf32>
    %add3A_479 = arith.addf %min3A_475, %mul3A_478 : vector<64x512xf32>
    %add3A_480 = arith.constant 1.228800e+04 : f32
    %add3A_481 = vector.broadcast %add3A_480 : f32 to vector<64x512xf32>
    %add3A_482 = arith.addf %add3A_479, %add3A_481 : vector<64x512xf32>
    %convert_element_type3A_483 = arith.fptosi %add3A_482 : vector<64x512xf32> to vector<64x512xi32>
    %slice3A_484 = vector.extract_strided_slice %convert_element_type3A_483 {offsets = [0, 0], sizes = [32, 512], strides = [1, 1]} : vector<64x512xi32> to vector<32x512xi32>
    %reshape3A_485 = vector.shape_cast %slice3A_484 : vector<32x512xi32> to vector<128x128xi32>
    %swap3A_486 = arith.constant 6 : index
    %swap3A_487 = arith.constant 0 : index
    %swap3A_488 = arith.constant 0 : index
    %swap3A_489 = vector.load %arg4[%swap3A_486, %swap3A_487, %swap3A_488] : memref<10x256x128xi32, #tpu.memory_space<vmem>>, vector<1x128x128xi32>
    %swap3A_490 = vector.shape_cast %swap3A_489 : vector<1x128x128xi32> to vector<128x128xi32>
    %swap3A_491 = vector.shape_cast %reshape3A_485 : vector<128x128xi32> to vector<1x128x128xi32>
    tpu.vector_store %arg4[%swap3A_486, %swap3A_487, %swap3A_488], %swap3A_491 {strides = array<i32>} : memref<10x256x128xi32, #tpu.memory_space<vmem>>, vector<1x128x128xi32>,
    %slice3A_492 = vector.extract_strided_slice %convert_element_type3A_483 {offsets = [32, 0], sizes = [32, 512], strides = [1, 1]} : vector<64x512xi32> to vector<32x512xi32>
    %reshape3A_493 = vector.shape_cast %slice3A_492 : vector<32x512xi32> to vector<128x128xi32>
    %swap3A_494 = arith.constant 6 : index
    %swap3A_495 = arith.constant 128 : index
    %swap3A_496 = arith.constant 0 : index
    %swap3A_497 = vector.load %arg4[%swap3A_494, %swap3A_495, %swap3A_496] : memref<10x256x128xi32, #tpu.memory_space<vmem>>, vector<1x128x128xi32>
    %swap3A_498 = vector.shape_cast %swap3A_497 : vector<1x128x128xi32> to vector<128x128xi32>
    %swap3A_499 = vector.shape_cast %reshape3A_493 : vector<128x128xi32> to vector<1x128x128xi32>
    tpu.vector_store %arg4[%swap3A_494, %swap3A_495, %swap3A_496], %swap3A_499 {strides = array<i32>} : memref<10x256x128xi32, #tpu.memory_space<vmem>>, vector<1x128x128xi32>,
    %slice3A_500 = vector.extract_strided_slice %exp3A {offsets = [7, 0, 0], sizes = [1, 64, 512], strides = [1, 1, 1]} : vector<20x64x512xf32> to vector<1x64x512xf32>
    %squeeze3A_501 = vector.shape_cast %slice3A_500 : vector<1x64x512xf32> to vector<64x512xf32>
    %mul3A_502 = arith.mulf %squeeze3A_501, %div3A_249 : vector<64x512xf32>
    %sub3A_503 = arith.subf %convert_element_type3A_102, %mul3A_502 : vector<64x512xf32>
    %abs3A_504 = math.absf %sub3A_503 : vector<64x512xf32>
    %mul3A_505 = arith.mulf %abs3A_504, %convert_element_type3A_218 : vector<64x512xf32>
    %mul3A_506 = arith.constant 2.048000e+03 : f32
    %mul3A_507 = vector.broadcast %mul3A_506 : f32 to vector<64x512xf32>
    %mul3A_508 = arith.mulf %mul3A_505, %mul3A_507 : vector<64x512xf32>
    %min3A_509 = arith.constant 2.047000e+03 : f32
    %min3A_510 = vector.broadcast %min3A_509 : f32 to vector<64x512xf32>
    %min3A_511 = arith.minimumf %mul3A_508, %min3A_510 : vector<64x512xf32>
    %mul3A_512 = arith.constant 2.048000e+04 : f32
    %mul3A_513 = vector.broadcast %mul3A_512 : f32 to vector<64x512xf32>
    %mul3A_514 = arith.mulf %convert_element_type3A_102, %mul3A_513 : vector<64x512xf32>
    %add3A_515 = arith.addf %min3A_511, %mul3A_514 : vector<64x512xf32>
    %add3A_516 = arith.constant 1.433600e+04 : f32
    %add3A_517 = vector.broadcast %add3A_516 : f32 to vector<64x512xf32>
    %add3A_518 = arith.addf %add3A_515, %add3A_517 : vector<64x512xf32>
    %convert_element_type3A_519 = arith.fptosi %add3A_518 : vector<64x512xf32> to vector<64x512xi32>
    %slice3A_520 = vector.extract_strided_slice %convert_element_type3A_519 {offsets = [0, 0], sizes = [32, 512], strides = [1, 1]} : vector<64x512xi32> to vector<32x512xi32>
    %reshape3A_521 = vector.shape_cast %slice3A_520 : vector<32x512xi32> to vector<128x128xi32>
    %swap3A_522 = arith.constant 7 : index
    %swap3A_523 = arith.constant 0 : index
    %swap3A_524 = arith.constant 0 : index
    %swap3A_525 = vector.load %arg4[%swap3A_522, %swap3A_523, %swap3A_524] : memref<10x256x128xi32, #tpu.memory_space<vmem>>, vector<1x128x128xi32>
    %swap3A_526 = vector.shape_cast %swap3A_525 : vector<1x128x128xi32> to vector<128x128xi32>
    %swap3A_527 = vector.shape_cast %reshape3A_521 : vector<128x128xi32> to vector<1x128x128xi32>
    tpu.vector_store %arg4[%swap3A_522, %swap3A_523, %swap3A_524], %swap3A_527 {strides = array<i32>} : memref<10x256x128xi32, #tpu.memory_space<vmem>>, vector<1x128x128xi32>,
    %slice3A_528 = vector.extract_strided_slice %convert_element_type3A_519 {offsets = [32, 0], sizes = [32, 512], strides = [1, 1]} : vector<64x512xi32> to vector<32x512xi32>
    %reshape3A_529 = vector.shape_cast %slice3A_528 : vector<32x512xi32> to vector<128x128xi32>
    %swap3A_530 = arith.constant 7 : index
    %swap3A_531 = arith.constant 128 : index
    %swap3A_532 = arith.constant 0 : index
    %swap3A_533 = vector.load %arg4[%swap3A_530, %swap3A_531, %swap3A_532] : memref<10x256x128xi32, #tpu.memory_space<vmem>>, vector<1x128x128xi32>
    %swap3A_534 = vector.shape_cast %swap3A_533 : vector<1x128x128xi32> to vector<128x128xi32>
    %swap3A_535 = vector.shape_cast %reshape3A_529 : vector<128x128xi32> to vector<1x128x128xi32>
    tpu.vector_store %arg4[%swap3A_530, %swap3A_531, %swap3A_532], %swap3A_535 {strides = array<i32>} : memref<10x256x128xi32, #tpu.memory_space<vmem>>, vector<1x128x128xi32>,
    %slice3A_536 = vector.extract_strided_slice %exp3A {offsets = [8, 0, 0], sizes = [1, 64, 512], strides = [1, 1, 1]} : vector<20x64x512xf32> to vector<1x64x512xf32>
    %squeeze3A_537 = vector.shape_cast %slice3A_536 : vector<1x64x512xf32> to vector<64x512xf32>
    %mul3A_538 = arith.mulf %squeeze3A_537, %div3A_249 : vector<64x512xf32>
    %sub3A_539 = arith.subf %convert_element_type3A_113, %mul3A_538 : vector<64x512xf32>
    %abs3A_540 = math.absf %sub3A_539 : vector<64x512xf32>
    %mul3A_541 = arith.mulf %abs3A_540, %convert_element_type3A_218 : vector<64x512xf32>
    %mul3A_542 = arith.constant 2.048000e+03 : f32
    %mul3A_543 = vector.broadcast %mul3A_542 : f32 to vector<64x512xf32>
    %mul3A_544 = arith.mulf %mul3A_541, %mul3A_543 : vector<64x512xf32>
    %min3A_545 = arith.constant 2.047000e+03 : f32
    %min3A_546 = vector.broadcast %min3A_545 : f32 to vector<64x512xf32>
    %min3A_547 = arith.minimumf %mul3A_544, %min3A_546 : vector<64x512xf32>
    %mul3A_548 = arith.constant 2.048000e+04 : f32
    %mul3A_549 = vector.broadcast %mul3A_548 : f32 to vector<64x512xf32>
    %mul3A_550 = arith.mulf %convert_element_type3A_113, %mul3A_549 : vector<64x512xf32>
    %add3A_551 = arith.addf %min3A_547, %mul3A_550 : vector<64x512xf32>
    %add3A_552 = arith.constant 1.638400e+04 : f32
    %add3A_553 = vector.broadcast %add3A_552 : f32 to vector<64x512xf32>
    %add3A_554 = arith.addf %add3A_551, %add3A_553 : vector<64x512xf32>
    %convert_element_type3A_555 = arith.fptosi %add3A_554 : vector<64x512xf32> to vector<64x512xi32>
    %slice3A_556 = vector.extract_strided_slice %convert_element_type3A_555 {offsets = [0, 0], sizes = [32, 512], strides = [1, 1]} : vector<64x512xi32> to vector<32x512xi32>
    %reshape3A_557 = vector.shape_cast %slice3A_556 : vector<32x512xi32> to vector<128x128xi32>
    %swap3A_558 = arith.constant 8 : index
    %swap3A_559 = arith.constant 0 : index
    %swap3A_560 = arith.constant 0 : index
    %swap3A_561 = vector.load %arg4[%swap3A_558, %swap3A_559, %swap3A_560] : memref<10x256x128xi32, #tpu.memory_space<vmem>>, vector<1x128x128xi32>
    %swap3A_562 = vector.shape_cast %swap3A_561 : vector<1x128x128xi32> to vector<128x128xi32>
    %swap3A_563 = vector.shape_cast %reshape3A_557 : vector<128x128xi32> to vector<1x128x128xi32>
    tpu.vector_store %arg4[%swap3A_558, %swap3A_559, %swap3A_560], %swap3A_563 {strides = array<i32>} : memref<10x256x128xi32, #tpu.memory_space<vmem>>, vector<1x128x128xi32>,
    %slice3A_564 = vector.extract_strided_slice %convert_element_type3A_555 {offsets = [32, 0], sizes = [32, 512], strides = [1, 1]} : vector<64x512xi32> to vector<32x512xi32>
    %reshape3A_565 = vector.shape_cast %slice3A_564 : vector<32x512xi32> to vector<128x128xi32>
    %swap3A_566 = arith.constant 8 : index
    %swap3A_567 = arith.constant 128 : index
    %swap3A_568 = arith.constant 0 : index
    %swap3A_569 = vector.load %arg4[%swap3A_566, %swap3A_567, %swap3A_568] : memref<10x256x128xi32, #tpu.memory_space<vmem>>, vector<1x128x128xi32>
    %swap3A_570 = vector.shape_cast %swap3A_569 : vector<1x128x128xi32> to vector<128x128xi32>
    %swap3A_571 = vector.shape_cast %reshape3A_565 : vector<128x128xi32> to vector<1x128x128xi32>
    tpu.vector_store %arg4[%swap3A_566, %swap3A_567, %swap3A_568], %swap3A_571 {strides = array<i32>} : memref<10x256x128xi32, #tpu.memory_space<vmem>>, vector<1x128x128xi32>,
    %slice3A_572 = vector.extract_strided_slice %exp3A {offsets = [9, 0, 0], sizes = [1, 64, 512], strides = [1, 1, 1]} : vector<20x64x512xf32> to vector<1x64x512xf32>
    %squeeze3A_573 = vector.shape_cast %slice3A_572 : vector<1x64x512xf32> to vector<64x512xf32>
    %mul3A_574 = arith.mulf %squeeze3A_573, %div3A_249 : vector<64x512xf32>
    %sub3A_575 = arith.subf %convert_element_type3A_124, %mul3A_574 : vector<64x512xf32>
    %abs3A_576 = math.absf %sub3A_575 : vector<64x512xf32>
    %mul3A_577 = arith.mulf %abs3A_576, %convert_element_type3A_218 : vector<64x512xf32>
    %mul3A_578 = arith.constant 2.048000e+03 : f32
    %mul3A_579 = vector.broadcast %mul3A_578 : f32 to vector<64x512xf32>
    %mul3A_580 = arith.mulf %mul3A_577, %mul3A_579 : vector<64x512xf32>
    %min3A_581 = arith.constant 2.047000e+03 : f32
    %min3A_582 = vector.broadcast %min3A_581 : f32 to vector<64x512xf32>
    %min3A_583 = arith.minimumf %mul3A_580, %min3A_582 : vector<64x512xf32>
    %mul3A_584 = arith.constant 2.048000e+04 : f32
    %mul3A_585 = vector.broadcast %mul3A_584 : f32 to vector<64x512xf32>
    %mul3A_586 = arith.mulf %convert_element_type3A_124, %mul3A_585 : vector<64x512xf32>
    %add3A_587 = arith.addf %min3A_583, %mul3A_586 : vector<64x512xf32>
    %add3A_588 = arith.constant 1.843200e+04 : f32
    %add3A_589 = vector.broadcast %add3A_588 : f32 to vector<64x512xf32>
    %add3A_590 = arith.addf %add3A_587, %add3A_589 : vector<64x512xf32>
    %convert_element_type3A_591 = arith.fptosi %add3A_590 : vector<64x512xf32> to vector<64x512xi32>
    %slice3A_592 = vector.extract_strided_slice %convert_element_type3A_591 {offsets = [0, 0], sizes = [32, 512], strides = [1, 1]} : vector<64x512xi32> to vector<32x512xi32>
    %reshape3A_593 = vector.shape_cast %slice3A_592 : vector<32x512xi32> to vector<128x128xi32>
    %swap3A_594 = arith.constant 9 : index
    %swap3A_595 = arith.constant 0 : index
    %swap3A_596 = arith.constant 0 : index
    %swap3A_597 = vector.load %arg4[%swap3A_594, %swap3A_595, %swap3A_596] : memref<10x256x128xi32, #tpu.memory_space<vmem>>, vector<1x128x128xi32>
    %swap3A_598 = vector.shape_cast %swap3A_597 : vector<1x128x128xi32> to vector<128x128xi32>
    %swap3A_599 = vector.shape_cast %reshape3A_593 : vector<128x128xi32> to vector<1x128x128xi32>
    tpu.vector_store %arg4[%swap3A_594, %swap3A_595, %swap3A_596], %swap3A_599 {strides = array<i32>} : memref<10x256x128xi32, #tpu.memory_space<vmem>>, vector<1x128x128xi32>,
    %slice3A_600 = vector.extract_strided_slice %convert_element_type3A_591 {offsets = [32, 0], sizes = [32, 512], strides = [1, 1]} : vector<64x512xi32> to vector<32x512xi32>
    %reshape3A_601 = vector.shape_cast %slice3A_600 : vector<32x512xi32> to vector<128x128xi32>
    %swap3A_602 = arith.constant 9 : index
    %swap3A_603 = arith.constant 128 : index
    %swap3A_604 = arith.constant 0 : index
    %swap3A_605 = vector.load %arg4[%swap3A_602, %swap3A_603, %swap3A_604] : memref<10x256x128xi32, #tpu.memory_space<vmem>>, vector<1x128x128xi32>
    %swap3A_606 = vector.shape_cast %swap3A_605 : vector<1x128x128xi32> to vector<128x128xi32>
    %swap3A_607 = vector.shape_cast %reshape3A_601 : vector<128x128xi32> to vector<1x128x128xi32>
    tpu.vector_store %arg4[%swap3A_602, %swap3A_603, %swap3A_604], %swap3A_607 {strides = array<i32>} : memref<10x256x128xi32, #tpu.memory_space<vmem>>, vector<1x128x128xi32>,
    return
  }
  func.func @transform_0(%arg0: i32, %arg1: i32) -> (i32, i32, i32, i32) {
    %c0_i32 = arith.constant 0 : i32
    %c0_i32_0 = arith.constant 0 : i32
    %c0_i32_1 = arith.constant 0 : i32
    return %arg0, %c0_i32, %arg1, %c0_i32_0 : i32, i32, i32, i32
  }
  func.func @transform_1(%arg0: i32, %arg1: i32) -> (i32, i32, i32) {
    %c0_i32 = arith.constant 0 : i32
    %c0_i32_0 = arith.constant 0 : i32
    return %arg0, %arg1, %c0_i32 : i32, i32, i32
  }
  func.func @transform_2(%arg0: i32, %arg1: i32) -> (i32, i32, i32) {
    %mul3A = arith.constant 8 : i32
    %mul3A_0 = arith.muli %arg0, %mul3A : i32
    %add3A = arith.addi %mul3A_0, %arg1 : i32
    %c0_i32 = arith.constant 0 : i32
    %c0_i32_1 = arith.constant 0 : i32
    %c0_i32_2 = arith.constant 0 : i32
    return %c0_i32, %add3A, %c0_i32_1 : i32, i32, i32
  }
  func.func @transform_3(%arg0: i32, %arg1: i32) -> (i32, i32, i32) {
    %c0_i32 = arith.constant 0 : i32
    %c0_i32_0 = arith.constant 0 : i32
    %c0_i32_1 = arith.constant 0 : i32
    %c0_i32_2 = arith.constant 0 : i32
    return %c0_i32, %c0_i32_0, %c0_i32_1 : i32, i32, i32
  }
}

</mosaic_0001>

<sc_bundles>
// kernel: kernel.5.cloned.1.call-start
scs
__scs_entry_jumppad:
0x0: {  	(pc) =	sbr.rel $0x88, $3  }
0x1: {  	(tag) =	ssettag $0x0;
	lr =	simm.s32 $0x1  }
0x2: {  	[smem:$0x3F9F] =	sst lr;
	_ =	strace $0xD0000000  }
0x3: {  	_ = 	snop  }
0x4: {  	_ = 	snop  }
0x5: {  	_ = 	snop  }
0x6: {  	_ = 	snop  }
0x7: {  	_ = 	snop  }
__scs_overlays_trampoline_lowered:
0x8: {  	[smem:$0x3FAE] =	sst s0  }
0x9: {  	[smem:$0x3FAF] =	sst s1  }
0xa: {  	[smem:$0x3FB0] =	sst s2  }
0xb: {  	[smem:$0x3FB1] =	sst s3  }
0xc: {  	[smem:$0x3FB2] =	sst s4  }
0xd: {  	[smem:$0x3FB3] =	sst s5  }
0xe: {  	[smem:$0x3FB4] =	sst s6  }
0xf: {  	[smem:$0x3FB5] =	sst s7  }
0x10: {  	[smem:$0x3FB6] =	sst s8  }
0x11: {  	[smem:$0x3FB7] =	sst s9;
	s0 =	simm.s32 @!p0 $0x0  }
0x12: {  	s1 =	sld [smem:$0x3F9D];
	s0 =	simm.s32 @p0 $0x1  }
0x13: {  	[smem:$0x3FB8] =	sst s0;
	s0 =	simm.s32 @!p1 $0x0  }
0x14: {  	s2 =	sld [smem:$0x3F9C];
	s0 =	simm.s32 @p1 $0x1  }
0x15: {  	[smem:$0x3FB9] =	sst s0;
	s0 =	simm.s32 @!p2 $0x0  }
0x16: {  	s3 =	sld [smem:$0x3FDB];
	s0 =	simm.s32 @p2 $0x1  }
0x17: {  	s4 =	simm.s32 $0x1BF5;
	[smem:$0x3FBB] =	sst s0  }
0x18: {  	s0 =	sld [smem:$0x3F9E];
	_ =	swait.ge [sflag:s4], $0x0  }
0x19: {  	s7 =	sld [smem:$0x3F9F]  }
0x1a: {  	s8 =	sadd.s32 $0xFFFFE003, lr  }
0x1b: {  	s9 =	sadd.s32 $0xFFFFFEF7, lr;
	s5 =	simm.s32 $0xFFFFFFFF;
	p2 =	slt.u32 s8, $0xFFFFF086  }
0x1c: {  	p1 =	slt.u32 s9, $0xF7A;
	s5 =	simm.s32 @!p2 $0x0  }
0x1d: {  	s5 =	simm.s32 @p1 $0x1;
	p0 =	seq.s32 s7, s2  }
0x1e: {  	s7 =	smul.u32 @!p0 $0xF7A, s2;
	p2 =	seq.s32 @!p0 s5, $0x0  }
0x1f: {  	s9 =	smul.u32 $0xF7A, s1;
	s8 =	simm.s32 @!p0 $0x1BF5;
	p2 =	por !p2, p0  }
0x20: {  	[sflag:s8] =	ssyncset.s32 @!p0 $0xFFFFF086;
	s6 =	sadd.s32 @!p0 s3, s7;
	s7 =	simm.s32 @!p0 $0x108  }
0x21: {  	s3 =	sadd.s32 s3, s9;
	s6 =	sadd.s32 @!p0 $0x88, s6;
	s7 =	simm.s32 @p2 $0x1082  }
0x22: {  	[simem:s7], [sflag:s8] =	dma.local @!p0 [hbm:s6], $0xF7A  }
0x23: {  	s9 =	sor.u32 $0xD0000000, s2;
	s6 =	simm.s32 $0x108;
	_ =	swait.ge @!p0 [sflag:s8], $0x0  }
0x24: {  	s3 =	sadd.s32 $0x88, s3;
	s6 =	simm.s32 @!p1 $0x1082;
	[sflag:s4] =	ssyncset.s32 $0xFFFFF086  }
0x25: {  	[simem:s6], [sflag:s4] =	dma.local [hbm:s3], $0xF7A  }
0x26: {  	[smem:$0x3F9F] =	sst s1;
	(tag) =	ssettag s2;
	_ =	strace s9  }
0x27: {  	s1 =	sld [smem:$0x3FAF]  }
0x28: {  	s2 =	sld [smem:$0x3FB0]  }
0x29: {  	s4 =	sld [smem:$0x3FB2]  }
0x2a: {  	p0 =	seq.s32 s5, $0x0;
	s5 =	sld [smem:$0x3FB3]  }
0x2b: {  	s6 =	sld [smem:$0x3FB4]  }
0x2c: {  	s7 =	sld [smem:$0x3FB5]  }
0x2d: {  	s3 =	simm.s32 $0x108;
	s8 =	sld [smem:$0x3FB6]  }
0x2e: {  	s3 =	simm.s32 @!p0 $0x1082;
	s9 =	sld [smem:$0x3FB7]  }
0x2f: {  	lr =	sadd.s32 s0, s3;
	s0 =	sld [smem:$0x3FAE]  }
0x30: {  	s3 =	sld [smem:$0x3FB1]  }
0x31: {  	[smem:$0x3FBA] =	sst s10  }
0x32: {  	s10 =	sld [smem:$0x3FB8];
	_ =	sdelay $0x3  }
0x33: {  	p0 =	seq.s32 s10, $0x1;
	s10 =	sld [smem:$0x3FBA];
	_ =	sdelay $0x3  }
0x34: {  	[smem:$0x3FBA] =	sst s10  }
0x35: {  	s10 =	sld [smem:$0x3FB9];
	_ =	sdelay $0x3  }
0x36: {  	p1 =	seq.s32 s10, $0x1;
	s10 =	sld [smem:$0x3FBA];
	_ =	sdelay $0x3  }
0x37: {  	[smem:$0x3FBA] =	sst s10  }
0x38: {  	s10 =	sld [smem:$0x3FBB]  }
0x39: {  	_ = 	snop;
	(pc) =	sbr.ind lr, $3  }
0x3a: {  	_ = 	snop  }
0x3b: {  	_ = 	snop  }
0x3c: {  	p2 =	seq.s32 s10, $0x1;
	s10 =	sld [smem:$0x3FBA]  }
0x3d: {  	_ =	shalt  }
0x3e: {  	_ =	shalt  }
0x3f: {  	_ =	shalt  }
0x40: {  	_ =	shalt  }
0x41: {  	_ =	shalt  }
0x42: {  	_ =	shalt  }
0x43: {  	_ =	shalt  }
0x44: {  	_ =	shalt  }
0x45: {  	_ =	shalt  }
0x46: {  	_ =	shalt  }
0x47: {  	_ =	shalt  }
0x48: {  	_ =	shalt  }
0x49: {  	_ =	shalt  }
0x4a: {  	_ =	shalt  }
0x4b: {  	_ =	shalt  }
0x4c: {  	_ =	shalt  }
0x4d: {  	_ =	shalt  }
0x4e: {  	_ =	shalt  }
0x4f: {  	_ =	shalt  }
0x50: {  	_ =	shalt  }
0x51: {  	_ =	shalt  }
0x52: {  	_ =	shalt  }
0x53: {  	_ =	shalt  }
0x54: {  	_ =	shalt  }
0x55: {  	_ =	shalt  }
0x56: {  	_ =	shalt  }
0x57: {  	_ =	shalt  }
0x58: {  	_ =	shalt  }
0x59: {  	_ =	shalt  }
0x5a: {  	_ =	shalt  }
0x5b: {  	_ =	shalt  }
0x5c: {  	_ =	shalt  }
0x5d: {  	_ =	shalt  }
0x5e: {  	_ =	shalt  }
0x5f: {  	_ =	shalt  }
0x60: {  	_ =	shalt  }
0x61: {  	_ =	shalt  }
0x62: {  	_ =	shalt  }
0x63: {  	_ =	shalt  }
0x64: {  	_ =	shalt  }
0x65: {  	_ =	shalt  }
0x66: {  	_ =	shalt  }
0x67: {  	_ =	shalt  }
0x68: {  	_ =	shalt  }
0x69: {  	_ =	shalt  }
0x6a: {  	_ =	shalt  }
0x6b: {  	_ =	shalt  }
0x6c: {  	_ =	shalt  }
0x6d: {  	_ =	shalt  }
0x6e: {  	_ =	shalt  }
0x6f: {  	_ =	shalt  }
0x70: {  	_ =	shalt  }
0x71: {  	_ =	shalt  }
0x72: {  	_ =	shalt  }
0x73: {  	_ =	shalt  }
0x74: {  	_ =	shalt  }
0x75: {  	_ =	shalt  }
0x76: {  	_ =	shalt  }
0x77: {  	_ =	shalt  }
0x78: {  	_ =	shalt  }
0x79: {  	_ =	shalt  }
0x7a: {  	_ =	shalt  }
0x7b: {  	_ =	shalt  }
0x7c: {  	_ =	shalt  }
0x7d: {  	_ =	shalt  }
0x7e: {  	_ =	shalt  }
0x7f: {  	_ =	shalt  }
0x80: {  	_ =	shalt  }
0x81: {  	_ =	shalt  }
0x82: {  	_ =	shalt  }
0x83: {  	_ =	shalt  }
0x84: {  	_ =	shalt  }
0x85: {  	_ =	shalt  }
0x86: {  	_ =	shalt  }
0x87: {  	_ =	shalt  }
.Lfunc_end0:
.L_simem_size_0:
called_computation_lowered:
.L_overlay_start_0:
0x88: {  	s2 =	sld [smem:$0x3FD9]  }
0x89: {  	s3 =	sld [smem:$0x3FFE];
	_ =	sdelay $0x1  }
0x8a: {  	s1 =	srdreg.scid  }
0x8b: {  	s0 =	sand.u32 $0x1, s1  }
0x8c: {  	s16 =	sshll.u32 s0, $0xA;
	s2 =	sadd.s32 s3, s2  }
0x8d: {  	s2 =	sadd.s32 s2, s16  }
0x8e: {  	[smem:$0x3FC6] =	sst s2  }
0x8f: {  	_ = 	snop  }
0x90: {  	(tm) =	ssettm $0x1  }
0x91: {  	s17 =	sld [smem:$0x3FFB];
	_ =	sdelay $0x3  }
0x92: {  	_ =	strace s17  }
0x93: {  	s2 =	sld [smem:$0x3FFC];
	_ =	sdelay $0x3  }
0x94: {  	_ =	strace s2  }
0x95: {  	s2 =	sld [smem:$0x3FFD];
	_ =	sdelay $0x3  }
0x96: {  	_ =	strace s2  }
0x97: {  	_ =	strace $0x8FFFFFFF  }
0x98: {  	s18 =	sld [smem:$0x3FDB];
	_ =	sdelay $0x1  }
0x99: {  	s19 =	simm.s32 $_scs_section_size  }
0x9a: {  	s4 =	simm.s32 $_size__tile_overlayer_lowered;
	s5 =	simm.s32 $_tile_overlayer_lowered  }
0x9b: {  	s22 =	simm.s32 $0x1BFF;
	s21 =	sshll.u32 s5, $0x1;
	s2 =	sadd.s32 s19, s18  }
0x9c: {  	s6 =	simm.s32 $0x0;
	s20 =	sshll.u32 s4, $0x1;
	s4 =	sadd.s32 s21, s2  }
0x9d: {  	[timem:s6], [sflag:s22] =	dma.local [hbm:s4], s20  }
0x9e: {  	_ =	swait.ge [sflag:s22], s20  }
0x9f: {  	s3 =	ssub.s32 $0x0, s20;
	[sflag:s22] =	ssyncset.done $0x0  }
0xa0: {  	[sflag:s22] =	ssyncadd.s32 s3;
	_ =	sdelay $0x1  }
0xa1: {  	s23 =	simm.s32 $0x1B8B  }
0xa2: {  	_ =	swait.ge [sflag:s23], $0x1  }
0xa3: {  	[sflag:s23] =	ssyncset.done $0x0  }
0xa4: {  	s25 =	simm.s32 $0x1B8E;
	s24 =	sld [smem:$0x3FFE];
	[sflag:s23] =	ssyncadd.s32 $0xFFFFFFFF  }
0xa5: {  	s26 =	simm.s32 $execute0_lowered;
	[smem:$0x3FD2] =	sst s25  }
0xa6: {  	s4 =	sshll.u32 s26, $0x1;
	_ =	strace $0x80000046;
	[dreg:$0x1] =	wrdreg $0xFFFFFFFF  }
0xa7: {  	s28 =	simm.s32 $_size_execute0_lowered;
	s2 =	sadd.s32 s2, s4;
	[dreg:$0x0] =	wrdreg $0x0  }
0xa8: {  	s4 =	sshll.u32 s28, $0x1;
	[dreg:$0x2] =	wrdreg s2  }
0xa9: {  	[dreg:$0x3] =	wrdreg s4  }
0xaa: {  	[dreg:$0x4] =	wrdreg $0xC0  }
0xab: {  	_ =	task [dreg:s6], $0x5FFFF  }
0xac: {  	[dreg:$0x1] =	wrdreg $0xFFFFFFFF  }
0xad: {  	[dreg:$0x0] =	wrdreg $0x60  }
0xae: {  	[dreg:$0x2] =	wrdreg s24  }
0xaf: {  	[dreg:$0x3] =	wrdreg $0x9  }
0xb0: {  	_ =	task.clear_ibuf [dreg:s6], $0x4FFFF;
	_ =	strace $0x90000046  }
0xb1: {  	s29 =	simm.s32 $0x9;
	_ =	strace $0x80000048  }
0xb2: {  	_ =	swait.ge [sflag:s29], $0x1  }
0xb3: {  	[sflag:s29] =	ssyncadd.s32 $0xFFFFFFFF  }
0xb4: {  	_ =	strace $0x90000048  }
0xb5: {  	_ =	sfence  }
0xb6: {  	s30 =	sld [smem:$0x0];
	_ =	sdelay $0x2  }
0xb7: {  	s31 =	sshll.u32 s1, $0xD;
	s1 =	sshrl.u32 s1, $0x2  }
0xb8: {  	s3 =	sand.u32 $0x4000, s31;
	s1 =	sadd.s32 s1, s30  }
0xb9: {  	s0 =	sor.u32 s3, s0;
	s1 =	sshll.u32 s1, $0x11  }
0xba: {  	s0 =	sor.u32 s1, s0  }
0xbb: {  	s0 =	sadd.s32 $0x8F2B, s0  }
0xbc: {  	[sflag:s0] =	ssyncadd.remote.s32 $0x1  }
0xbd: {  	_ =	sfence.sel $0xFFFF  }
0xbe: {  	[dreg:$0x0] =	wrdreg $0xFFFFFFFF;
	(pc) =	sbr.abs _section_cstart, $3  }
0xbf: {  	[dreg:$0x1] =	wrdreg $0xFFFFFFFF  }
0xc0: {  	_ =	task.clear_ibuf [dreg:s6], $0x2FFFF;
	_ =	strace $0x9FFFFFFF  }
0xc1: {  	(tm) =	ssettm $0x7FFFFFFF  }
tec
execute0_lowered:
.L_overlay_start_1:
0x0: {  	(tag) =	ssettag $0x1  }
0x1: {  	s1 =	srdreg.scid;
	s0 =	stileid.u32  }
0x2: {  	s4 =	rddreg [dreg:$0x0];
	s2 =	simm.s32 $0x0;
	s16 =	simm.s32 $0x10000  }
0x3: {  	s17 =	simm.s32 $0x3;
	s18 =	simm.s32 $0x8000;
	s19 =	simm.s32 $0x1  }
0x4: {  	s20 =	simm.s32 $0x2;
	s21 =	simm.s32 $0x80;
	s22 =	simm.s32 $0x400  }
0x5: {  	s23 =	simm.s32 $0x0;
	s3 =	sand.u32 $0x1, s1;
	s1 =	rddreg [dreg:$0x1]  }
0x6: {  	s29 =	sshll.u32 s0, $0x1;
	s7 =	sshrl.u32 s0, $0x2;
	[smem:$0x7FF] =	sst s2  }
0x7: {  	s5 =	sor.u32 s3, s29;
	s7 =	smul.u32 $0x50000, s7;
	_ =	strace $0x80000047  }
0x8: {  	s30 =	ssub.s32 $0x2, s3;
	s6 =	smul.u32 $0x50000, s5;
	s5 =	sshll.u32 s5, $0x7  }
0x9: {  	s3 =	sadd.s32 $0x140800, s4;
	s31 =	sshrl.u32 s30, $0x1;
	s5 =	sand.u32 $0x380, s5  }
0xa: {  	s15 =	ssub.s32 s30, s31;
	s6 =	sshrl.u32 s6, $0x3;
	s5 =	sor.u32 s7, s5  }
0xb: {  	s15 =	smax.u32 s15, $0x1;
	s13 =	sadd.s32 s6, s4;
	s5 =	sshrl.u32 s5, $0x3  }
0xc: {  	s14 =	sadd.s32 s5, s4;
	s4 =	sadd.s32 $0x800, s13;
	s5 =	sadd.s32 $0x1800, s13  }
0xd: {  	s6 =	sadd.s32 $0x2800, s13;
	s7 =	sadd.s32 $0x3800, s13;
	s8 =	sadd.s32 $0x4800, s13  }
0xe: {  	s9 =	sadd.s32 $0x5800, s13;
	s10 =	sadd.s32 $0x6800, s13;
	s11 =	sadd.s32 $0x7800, s13  }
0xf: {  	v0 =	vimm.f32 $1.000000000e+00;
	s12 =	sadd.s32 $0x8800, s13;
	s13 =	sadd.s32 $0x9800, s13;
	s14 =	sadd.s32 $0x141C00, s14  }
.LBB2_1:
0x10: {  	[tilespmem:s16], [sflag:$0x3] =	stream.linear.gather [hbm4b:s3+s2], $0xA000, $0x38;
	[tilespmem:$0x1A000] =	vst v63  }
0x11: {  	_ =	swait.ge [sflag:s17], $0xA000  }
0x12: {  	[sflag:s17] =	ssyncset.done $0x0  }
0x13: {  	[sflag:s17] =	ssyncadd.s32 $0xFFFF6000  }
0x14: {  	[tilespmem:s2], [sflag:$0x1] =	stream.linear.gather [hbm4b:s4+s2], $0x8000, $0x38;
	[tilespmem:$0x1A000] =	vst v63  }
0x15: {  	_ = 	snop  }
0x16: {  	[tilespmem:s18], [sflag:$0x2] =	stream.linear.gather [hbm4b:s5+s2], $0x8000, $0x38;
	[tilespmem:$0x1A000] =	vst v63  }
0x17: {  	_ =	swait.ge [sflag:s19], $0x8000  }
0x18: {  	[sflag:s19] =	ssyncset.done $0x0  }
0x19: {  	s24 =	simm.s32 $0x40;
	[sflag:s19] =	ssyncadd.s32 $0xFFFF8000  }
0x1a: {  	v2 =	vld [tilespmem:s24+$0xFFFFFFC0]  }
0x1b: {  	v3 =	vld [tilespmem:s24+$0x30]  }
0x1c: {  	v4 =	vld [tilespmem:s24+$0x20]  }
0x1d: {  	v5 =	vld [tilespmem:s24+$0x10]  }
0x1e: {  	v6 =	vld [tilespmem:s24+$0x0]  }
0x1f: {  	v7 =	vld [tilespmem:s24+$0xFFFFFFF0]  }
0x20: {  	v8 =	vld [tilespmem:s24+$0xFFFFFFE0]  }
0x21: {  	v1 =	vld [tilespmem:s24+$0xFFFFFFD0]  }
0x22: {  	[tilespmem:v2+s16+$0x0] =	vst.idx.add.f32.msk $0xffff, v0  }
0x23: {  	[tilespmem:v3+s16+$0x0] =	vst.idx.add.f32.msk $0xffff, v0  }
0x24: {  	[tilespmem:v4+s16+$0x0] =	vst.idx.add.f32.msk $0xffff, v0  }
0x25: {  	[tilespmem:v5+s16+$0x0] =	vst.idx.add.f32.msk $0xffff, v0  }
0x26: {  	[tilespmem:v6+s16+$0x0] =	vst.idx.add.f32.msk $0xffff, v0  }
0x27: {  	[tilespmem:v7+s16+$0x0] =	vst.idx.add.f32.msk $0xffff, v0  }
0x28: {  	s25 =	simm.s32 $0x0;
	[tilespmem:v8+s16+$0x0] =	vst.idx.add.f32.msk $0xffff, v0  }
.LBB2_2:
0x29: {  	s25 =	sadd.s32 $0x8, s25;
	[tilespmem:v1+s16+$0x0] =	vst.idx.add.f32.msk $0xffff, v0;
	s24 =	sadd.s32 $0x80, s24  }
0x2a: {  	v2 =	vld [tilespmem:s24+$0xFFFFFFC0];
	p0 =	slt.u32 s25, $0x7F8  }
0x2b: {  	v3 =	vld [tilespmem:s24+$0x30]  }
0x2c: {  	v4 =	vld [tilespmem:s24+$0x20]  }
0x2d: {  	v5 =	vld [tilespmem:s24+$0x10]  }
0x2e: {  	v6 =	vld [tilespmem:s24+$0x0]  }
0x2f: {  	v7 =	vld [tilespmem:s24+$0xFFFFFFF0]  }
0x30: {  	v8 =	vld [tilespmem:s24+$0xFFFFFFE0]  }
0x31: {  	v1 =	vld [tilespmem:s24+$0xFFFFFFD0]  }
0x32: {  	[tilespmem:v2+s16+$0x0] =	vst.idx.add.f32.msk $0xffff, v0  }
0x33: {  	[tilespmem:v3+s16+$0x0] =	vst.idx.add.f32.msk $0xffff, v0  }
.Ltmp0:
0x34: {  	[tilespmem:v4+s16+$0x0] =	vst.idx.add.f32.msk $0xffff, v0;
	(pc) =	sbr.rel @p0 .LBB2_2-.Ltmp0, $4  }
0x35: {  	[tilespmem:v5+s16+$0x0] =	vst.idx.add.f32.msk $0xffff, v0  }
0x36: {  	[tilespmem:v6+s16+$0x0] =	vst.idx.add.f32.msk $0xffff, v0  }
0x37: {  	[tilespmem:v7+s16+$0x0] =	vst.idx.add.f32.msk $0xffff, v0  }
0x38: {  	[tilespmem:v8+s16+$0x0] =	vst.idx.add.f32.msk $0xffff, v0  }
0x39: {  	_ =	sdelay $0x3  }
0x3a: {  	[tilespmem:v1+s16+$0x0] =	vst.idx.add.f32.msk $0xffff, v0  }
0x3b: {  	[tilespmem:s2], [sflag:$0x1] =	stream.linear.gather [hbm4b:s6+s2], $0x8000, $0x38;
	[tilespmem:$0x1A000] =	vst v63  }
0x3c: {  	_ =	swait.ge [sflag:s20], $0x8000  }
0x3d: {  	[sflag:s20] =	ssyncset.done $0x0  }
0x3e: {  	s24 =	simm.s32 $0x8040;
	[sflag:s20] =	ssyncadd.s32 $0xFFFF8000  }
0x3f: {  	v2 =	vld [tilespmem:s24+$0xFFFFFFC0]  }
0x40: {  	v3 =	vld [tilespmem:s24+$0x30]  }
0x41: {  	v4 =	vld [tilespmem:s24+$0x20]  }
0x42: {  	v5 =	vld [tilespmem:s24+$0x10]  }
0x43: {  	v6 =	vld [tilespmem:s24+$0x0]  }
0x44: {  	v7 =	vld [tilespmem:s24+$0xFFFFFFF0]  }
0x45: {  	v8 =	vld [tilespmem:s24+$0xFFFFFFE0]  }
0x46: {  	v1 =	vld [tilespmem:s24+$0xFFFFFFD0]  }
0x47: {  	[tilespmem:v2+s16+$0x0] =	vst.idx.add.f32.msk $0xffff, v0  }
0x48: {  	[tilespmem:v3+s16+$0x0] =	vst.idx.add.f32.msk $0xffff, v0  }
0x49: {  	[tilespmem:v4+s16+$0x0] =	vst.idx.add.f32.msk $0xffff, v0  }
0x4a: {  	[tilespmem:v5+s16+$0x0] =	vst.idx.add.f32.msk $0xffff, v0  }
0x4b: {  	[tilespmem:v6+s16+$0x0] =	vst.idx.add.f32.msk $0xffff, v0  }
0x4c: {  	[tilespmem:v7+s16+$0x0] =	vst.idx.add.f32.msk $0xffff, v0  }
0x4d: {  	s25 =	simm.s32 $0x0;
	[tilespmem:v8+s16+$0x0] =	vst.idx.add.f32.msk $0xffff, v0  }
.LBB2_4:
0x4e: {  	s25 =	sadd.s32 $0x8, s25;
	[tilespmem:v1+s16+$0x0] =	vst.idx.add.f32.msk $0xffff, v0;
	s24 =	sadd.s32 $0x80, s24  }
0x4f: {  	v2 =	vld [tilespmem:s24+$0xFFFFFFC0];
	p0 =	slt.u32 s25, $0x7F8  }
0x50: {  	v3 =	vld [tilespmem:s24+$0x30]  }
0x51: {  	v4 =	vld [tilespmem:s24+$0x20]  }
0x52: {  	v5 =	vld [tilespmem:s24+$0x10]  }
0x53: {  	v6 =	vld [tilespmem:s24+$0x0]  }
0x54: {  	v7 =	vld [tilespmem:s24+$0xFFFFFFF0]  }
0x55: {  	v8 =	vld [tilespmem:s24+$0xFFFFFFE0]  }
0x56: {  	v1 =	vld [tilespmem:s24+$0xFFFFFFD0]  }
0x57: {  	[tilespmem:v2+s16+$0x0] =	vst.idx.add.f32.msk $0xffff, v0  }
0x58: {  	[tilespmem:v3+s16+$0x0] =	vst.idx.add.f32.msk $0xffff, v0  }
.Ltmp1:
0x59: {  	[tilespmem:v4+s16+$0x0] =	vst.idx.add.f32.msk $0xffff, v0;
	(pc) =	sbr.rel @p0 .LBB2_4-.Ltmp1, $4  }
0x5a: {  	[tilespmem:v5+s16+$0x0] =	vst.idx.add.f32.msk $0xffff, v0  }
0x5b: {  	[tilespmem:v6+s16+$0x0] =	vst.idx.add.f32.msk $0xffff, v0  }
0x5c: {  	[tilespmem:v7+s16+$0x0] =	vst.idx.add.f32.msk $0xffff, v0  }
0x5d: {  	[tilespmem:v8+s16+$0x0] =	vst.idx.add.f32.msk $0xffff, v0  }
0x5e: {  	_ =	sdelay $0x3  }
0x5f: {  	[tilespmem:v1+s16+$0x0] =	vst.idx.add.f32.msk $0xffff, v0  }
0x60: {  	[tilespmem:s18], [sflag:$0x2] =	stream.linear.gather [hbm4b:s7+s2], $0x8000, $0x38;
	[tilespmem:$0x1A000] =	vst v63  }
0x61: {  	_ =	swait.ge [sflag:s19], $0x8000  }
0x62: {  	[sflag:s19] =	ssyncset.done $0x0  }
0x63: {  	s24 =	simm.s32 $0x40;
	[sflag:s19] =	ssyncadd.s32 $0xFFFF8000  }
0x64: {  	v2 =	vld [tilespmem:s24+$0xFFFFFFC0]  }
0x65: {  	v3 =	vld [tilespmem:s24+$0x30]  }
0x66: {  	v4 =	vld [tilespmem:s24+$0x20]  }
0x67: {  	v5 =	vld [tilespmem:s24+$0x10]  }
0x68: {  	v6 =	vld [tilespmem:s24+$0x0]  }
0x69: {  	v7 =	vld [tilespmem:s24+$0xFFFFFFF0]  }
0x6a: {  	v8 =	vld [tilespmem:s24+$0xFFFFFFE0]  }
0x6b: {  	v1 =	vld [tilespmem:s24+$0xFFFFFFD0]  }
0x6c: {  	[tilespmem:v2+s16+$0x0] =	vst.idx.add.f32.msk $0xffff, v0  }
0x6d: {  	[tilespmem:v3+s16+$0x0] =	vst.idx.add.f32.msk $0xffff, v0  }
0x6e: {  	[tilespmem:v4+s16+$0x0] =	vst.idx.add.f32.msk $0xffff, v0  }
0x6f: {  	[tilespmem:v5+s16+$0x0] =	vst.idx.add.f32.msk $0xffff, v0  }
0x70: {  	[tilespmem:v6+s16+$0x0] =	vst.idx.add.f32.msk $0xffff, v0  }
0x71: {  	[tilespmem:v7+s16+$0x0] =	vst.idx.add.f32.msk $0xffff, v0  }
0x72: {  	s25 =	simm.s32 $0x0;
	[tilespmem:v8+s16+$0x0] =	vst.idx.add.f32.msk $0xffff, v0  }
.LBB2_6:
0x73: {  	s25 =	sadd.s32 $0x8, s25;
	[tilespmem:v1+s16+$0x0] =	vst.idx.add.f32.msk $0xffff, v0;
	s24 =	sadd.s32 $0x80, s24  }
0x74: {  	v2 =	vld [tilespmem:s24+$0xFFFFFFC0];
	p0 =	slt.u32 s25, $0x7F8  }
0x75: {  	v3 =	vld [tilespmem:s24+$0x30]  }
0x76: {  	v4 =	vld [tilespmem:s24+$0x20]  }
0x77: {  	v5 =	vld [tilespmem:s24+$0x10]  }
0x78: {  	v6 =	vld [tilespmem:s24+$0x0]  }
0x79: {  	v7 =	vld [tilespmem:s24+$0xFFFFFFF0]  }
0x7a: {  	v8 =	vld [tilespmem:s24+$0xFFFFFFE0]  }
0x7b: {  	v1 =	vld [tilespmem:s24+$0xFFFFFFD0]  }
0x7c: {  	[tilespmem:v2+s16+$0x0] =	vst.idx.add.f32.msk $0xffff, v0  }
0x7d: {  	[tilespmem:v3+s16+$0x0] =	vst.idx.add.f32.msk $0xffff, v0  }
.Ltmp2:
0x7e: {  	[tilespmem:v4+s16+$0x0] =	vst.idx.add.f32.msk $0xffff, v0;
	(pc) =	sbr.rel @p0 .LBB2_6-.Ltmp2, $4  }
0x7f: {  	[tilespmem:v5+s16+$0x0] =	vst.idx.add.f32.msk $0xffff, v0  }
0x80: {  	[tilespmem:v6+s16+$0x0] =	vst.idx.add.f32.msk $0xffff, v0  }
0x81: {  	[tilespmem:v7+s16+$0x0] =	vst.idx.add.f32.msk $0xffff, v0  }
0x82: {  	[tilespmem:v8+s16+$0x0] =	vst.idx.add.f32.msk $0xffff, v0  }
0x83: {  	_ =	sdelay $0x3  }
0x84: {  	[tilespmem:v1+s16+$0x0] =	vst.idx.add.f32.msk $0xffff, v0  }
0x85: {  	[tilespmem:s2], [sflag:$0x1] =	stream.linear.gather [hbm4b:s8+s2], $0x8000, $0x38;
	[tilespmem:$0x1A000] =	vst v63  }
0x86: {  	_ =	swait.ge [sflag:s20], $0x8000  }
0x87: {  	[sflag:s20] =	ssyncset.done $0x0  }
0x88: {  	s24 =	simm.s32 $0x8040;
	[sflag:s20] =	ssyncadd.s32 $0xFFFF8000  }
0x89: {  	v2 =	vld [tilespmem:s24+$0xFFFFFFC0]  }
0x8a: {  	v3 =	vld [tilespmem:s24+$0x30]  }
0x8b: {  	v4 =	vld [tilespmem:s24+$0x20]  }
0x8c: {  	v5 =	vld [tilespmem:s24+$0x10]  }
0x8d: {  	v6 =	vld [tilespmem:s24+$0x0]  }
0x8e: {  	v7 =	vld [tilespmem:s24+$0xFFFFFFF0]  }
0x8f: {  	v8 =	vld [tilespmem:s24+$0xFFFFFFE0]  }
0x90: {  	v1 =	vld [tilespmem:s24+$0xFFFFFFD0]  }
0x91: {  	[tilespmem:v2+s16+$0x0] =	vst.idx.add.f32.msk $0xffff, v0  }
0x92: {  	[tilespmem:v3+s16+$0x0] =	vst.idx.add.f32.msk $0xffff, v0  }
0x93: {  	[tilespmem:v4+s16+$0x0] =	vst.idx.add.f32.msk $0xffff, v0  }
0x94: {  	[tilespmem:v5+s16+$0x0] =	vst.idx.add.f32.msk $0xffff, v0  }
0x95: {  	[tilespmem:v6+s16+$0x0] =	vst.idx.add.f32.msk $0xffff, v0  }
0x96: {  	[tilespmem:v7+s16+$0x0] =	vst.idx.add.f32.msk $0xffff, v0  }
0x97: {  	s25 =	simm.s32 $0x0;
	[tilespmem:v8+s16+$0x0] =	vst.idx.add.f32.msk $0xffff, v0  }
.LBB2_8:
0x98: {  	s25 =	sadd.s32 $0x8, s25;
	[tilespmem:v1+s16+$0x0] =	vst.idx.add.f32.msk $0xffff, v0;
	s24 =	sadd.s32 $0x80, s24  }
0x99: {  	v2 =	vld [tilespmem:s24+$0xFFFFFFC0];
	p0 =	slt.u32 s25, $0x7F8  }
0x9a: {  	v3 =	vld [tilespmem:s24+$0x30]  }
0x9b: {  	v4 =	vld [tilespmem:s24+$0x20]  }
0x9c: {  	v5 =	vld [tilespmem:s24+$0x10]  }
0x9d: {  	v6 =	vld [tilespmem:s24+$0x0]  }
0x9e: {  	v7 =	vld [tilespmem:s24+$0xFFFFFFF0]  }
0x9f: {  	v8 =	vld [tilespmem:s24+$0xFFFFFFE0]  }
0xa0: {  	v1 =	vld [tilespmem:s24+$0xFFFFFFD0]  }
0xa1: {  	[tilespmem:v2+s16+$0x0] =	vst.idx.add.f32.msk $0xffff, v0  }
0xa2: {  	[tilespmem:v3+s16+$0x0] =	vst.idx.add.f32.msk $0xffff, v0  }
.Ltmp3:
0xa3: {  	[tilespmem:v4+s16+$0x0] =	vst.idx.add.f32.msk $0xffff, v0;
	(pc) =	sbr.rel @p0 .LBB2_8-.Ltmp3, $4  }
0xa4: {  	[tilespmem:v5+s16+$0x0] =	vst.idx.add.f32.msk $0xffff, v0  }
0xa5: {  	[tilespmem:v6+s16+$0x0] =	vst.idx.add.f32.msk $0xffff, v0  }
0xa6: {  	[tilespmem:v7+s16+$0x0] =	vst.idx.add.f32.msk $0xffff, v0  }
0xa7: {  	[tilespmem:v8+s16+$0x0] =	vst.idx.add.f32.msk $0xffff, v0  }
0xa8: {  	_ =	sdelay $0x3  }
0xa9: {  	[tilespmem:v1+s16+$0x0] =	vst.idx.add.f32.msk $0xffff, v0  }
0xaa: {  	[tilespmem:s18], [sflag:$0x2] =	stream.linear.gather [hbm4b:s9+s2], $0x8000, $0x38;
	[tilespmem:$0x1A000] =	vst v63  }
0xab: {  	_ =	swait.ge [sflag:s19], $0x8000  }
0xac: {  	[sflag:s19] =	ssyncset.done $0x0  }
0xad: {  	s24 =	simm.s32 $0x40;
	[sflag:s19] =	ssyncadd.s32 $0xFFFF8000  }
0xae: {  	v2 =	vld [tilespmem:s24+$0xFFFFFFC0]  }
0xaf: {  	v3 =	vld [tilespmem:s24+$0x30]  }
0xb0: {  	v4 =	vld [tilespmem:s24+$0x20]  }
0xb1: {  	v5 =	vld [tilespmem:s24+$0x10]  }
0xb2: {  	v6 =	vld [tilespmem:s24+$0x0]  }
0xb3: {  	v7 =	vld [tilespmem:s24+$0xFFFFFFF0]  }
0xb4: {  	v8 =	vld [tilespmem:s24+$0xFFFFFFE0]  }
0xb5: {  	v1 =	vld [tilespmem:s24+$0xFFFFFFD0]  }
0xb6: {  	[tilespmem:v2+s16+$0x0] =	vst.idx.add.f32.msk $0xffff, v0  }
0xb7: {  	[tilespmem:v3+s16+$0x0] =	vst.idx.add.f32.msk $0xffff, v0  }
0xb8: {  	[tilespmem:v4+s16+$0x0] =	vst.idx.add.f32.msk $0xffff, v0  }
0xb9: {  	[tilespmem:v5+s16+$0x0] =	vst.idx.add.f32.msk $0xffff, v0  }
0xba: {  	[tilespmem:v6+s16+$0x0] =	vst.idx.add.f32.msk $0xffff, v0  }
0xbb: {  	[tilespmem:v7+s16+$0x0] =	vst.idx.add.f32.msk $0xffff, v0  }
0xbc: {  	s25 =	simm.s32 $0x0;
	[tilespmem:v8+s16+$0x0] =	vst.idx.add.f32.msk $0xffff, v0  }
.LBB2_10:
0xbd: {  	s25 =	sadd.s32 $0x8, s25;
	[tilespmem:v1+s16+$0x0] =	vst.idx.add.f32.msk $0xffff, v0;
	s24 =	sadd.s32 $0x80, s24  }
0xbe: {  	v2 =	vld [tilespmem:s24+$0xFFFFFFC0];
	p0 =	slt.u32 s25, $0x7F8  }
0xbf: {  	v3 =	vld [tilespmem:s24+$0x30]  }
0xc0: {  	v4 =	vld [tilespmem:s24+$0x20]  }
0xc1: {  	v5 =	vld [tilespmem:s24+$0x10]  }
0xc2: {  	v6 =	vld [tilespmem:s24+$0x0]  }
0xc3: {  	v7 =	vld [tilespmem:s24+$0xFFFFFFF0]  }
0xc4: {  	v8 =	vld [tilespmem:s24+$0xFFFFFFE0]  }
0xc5: {  	v1 =	vld [tilespmem:s24+$0xFFFFFFD0]  }
0xc6: {  	[tilespmem:v2+s16+$0x0] =	vst.idx.add.f32.msk $0xffff, v0  }
0xc7: {  	[tilespmem:v3+s16+$0x0] =	vst.idx.add.f32.msk $0xffff, v0  }
.Ltmp4:
0xc8: {  	[tilespmem:v4+s16+$0x0] =	vst.idx.add.f32.msk $0xffff, v0;
	(pc) =	sbr.rel @p0 .LBB2_10-.Ltmp4, $4  }
0xc9: {  	[tilespmem:v5+s16+$0x0] =	vst.idx.add.f32.msk $0xffff, v0  }
0xca: {  	[tilespmem:v6+s16+$0x0] =	vst.idx.add.f32.msk $0xffff, v0  }
0xcb: {  	[tilespmem:v7+s16+$0x0] =	vst.idx.add.f32.msk $0xffff, v0  }
0xcc: {  	[tilespmem:v8+s16+$0x0] =	vst.idx.add.f32.msk $0xffff, v0  }
0xcd: {  	_ =	sdelay $0x3  }
0xce: {  	[tilespmem:v1+s16+$0x0] =	vst.idx.add.f32.msk $0xffff, v0  }
0xcf: {  	[tilespmem:s2], [sflag:$0x1] =	stream.linear.gather [hbm4b:s10+s2], $0x8000, $0x38;
	[tilespmem:$0x1A000] =	vst v63  }
0xd0: {  	_ =	swait.ge [sflag:s20], $0x8000  }
0xd1: {  	[sflag:s20] =	ssyncset.done $0x0  }
0xd2: {  	s24 =	simm.s32 $0x8040;
	[sflag:s20] =	ssyncadd.s32 $0xFFFF8000  }
0xd3: {  	v2 =	vld [tilespmem:s24+$0xFFFFFFC0]  }
0xd4: {  	v3 =	vld [tilespmem:s24+$0x30]  }
0xd5: {  	v4 =	vld [tilespmem:s24+$0x20]  }
0xd6: {  	v5 =	vld [tilespmem:s24+$0x10]  }
0xd7: {  	v6 =	vld [tilespmem:s24+$0x0]  }
0xd8: {  	v7 =	vld [tilespmem:s24+$0xFFFFFFF0]  }
0xd9: {  	v8 =	vld [tilespmem:s24+$0xFFFFFFE0]  }
0xda: {  	v1 =	vld [tilespmem:s24+$0xFFFFFFD0]  }
0xdb: {  	[tilespmem:v2+s16+$0x0] =	vst.idx.add.f32.msk $0xffff, v0  }
0xdc: {  	[tilespmem:v3+s16+$0x0] =	vst.idx.add.f32.msk $0xffff, v0  }
0xdd: {  	[tilespmem:v4+s16+$0x0] =	vst.idx.add.f32.msk $0xffff, v0  }
0xde: {  	[tilespmem:v5+s16+$0x0] =	vst.idx.add.f32.msk $0xffff, v0  }
0xdf: {  	[tilespmem:v6+s16+$0x0] =	vst.idx.add.f32.msk $0xffff, v0  }
0xe0: {  	[tilespmem:v7+s16+$0x0] =	vst.idx.add.f32.msk $0xffff, v0  }
0xe1: {  	s25 =	simm.s32 $0x0;
	[tilespmem:v8+s16+$0x0] =	vst.idx.add.f32.msk $0xffff, v0  }
.LBB2_12:
0xe2: {  	s25 =	sadd.s32 $0x8, s25;
	[tilespmem:v1+s16+$0x0] =	vst.idx.add.f32.msk $0xffff, v0;
	s24 =	sadd.s32 $0x80, s24  }
0xe3: {  	v2 =	vld [tilespmem:s24+$0xFFFFFFC0];
	p0 =	slt.u32 s25, $0x7F8  }
0xe4: {  	v3 =	vld [tilespmem:s24+$0x30]  }
0xe5: {  	v4 =	vld [tilespmem:s24+$0x20]  }
0xe6: {  	v5 =	vld [tilespmem:s24+$0x10]  }
0xe7: {  	v6 =	vld [tilespmem:s24+$0x0]  }
0xe8: {  	v7 =	vld [tilespmem:s24+$0xFFFFFFF0]  }
0xe9: {  	v8 =	vld [tilespmem:s24+$0xFFFFFFE0]  }
0xea: {  	v1 =	vld [tilespmem:s24+$0xFFFFFFD0]  }
0xeb: {  	[tilespmem:v2+s16+$0x0] =	vst.idx.add.f32.msk $0xffff, v0  }
0xec: {  	[tilespmem:v3+s16+$0x0] =	vst.idx.add.f32.msk $0xffff, v0  }
.Ltmp5:
0xed: {  	[tilespmem:v4+s16+$0x0] =	vst.idx.add.f32.msk $0xffff, v0;
	(pc) =	sbr.rel @p0 .LBB2_12-.Ltmp5, $4  }
0xee: {  	[tilespmem:v5+s16+$0x0] =	vst.idx.add.f32.msk $0xffff, v0  }
0xef: {  	[tilespmem:v6+s16+$0x0] =	vst.idx.add.f32.msk $0xffff, v0  }
0xf0: {  	[tilespmem:v7+s16+$0x0] =	vst.idx.add.f32.msk $0xffff, v0  }
0xf1: {  	[tilespmem:v8+s16+$0x0] =	vst.idx.add.f32.msk $0xffff, v0  }
0xf2: {  	_ =	sdelay $0x3  }
0xf3: {  	[tilespmem:v1+s16+$0x0] =	vst.idx.add.f32.msk $0xffff, v0  }
0xf4: {  	[tilespmem:s18], [sflag:$0x2] =	stream.linear.gather [hbm4b:s11+s2], $0x8000, $0x38;
	[tilespmem:$0x1A000] =	vst v63  }
0xf5: {  	_ =	swait.ge [sflag:s19], $0x8000  }
0xf6: {  	[sflag:s19] =	ssyncset.done $0x0  }
0xf7: {  	s24 =	simm.s32 $0x40;
	[sflag:s19] =	ssyncadd.s32 $0xFFFF8000  }
0xf8: {  	v2 =	vld [tilespmem:s24+$0xFFFFFFC0]  }
0xf9: {  	v3 =	vld [tilespmem:s24+$0x30]  }
0xfa: {  	v4 =	vld [tilespmem:s24+$0x20]  }
0xfb: {  	v5 =	vld [tilespmem:s24+$0x10]  }
0xfc: {  	v6 =	vld [tilespmem:s24+$0x0]  }
0xfd: {  	v7 =	vld [tilespmem:s24+$0xFFFFFFF0]  }
0xfe: {  	v8 =	vld [tilespmem:s24+$0xFFFFFFE0]  }
0xff: {  	v1 =	vld [tilespmem:s24+$0xFFFFFFD0]  }
0x100: {  	[tilespmem:v2+s16+$0x0] =	vst.idx.add.f32.msk $0xffff, v0  }
0x101: {  	[tilespmem:v3+s16+$0x0] =	vst.idx.add.f32.msk $0xffff, v0  }
0x102: {  	[tilespmem:v4+s16+$0x0] =	vst.idx.add.f32.msk $0xffff, v0  }
0x103: {  	[tilespmem:v5+s16+$0x0] =	vst.idx.add.f32.msk $0xffff, v0  }
0x104: {  	[tilespmem:v6+s16+$0x0] =	vst.idx.add.f32.msk $0xffff, v0  }
0x105: {  	[tilespmem:v7+s16+$0x0] =	vst.idx.add.f32.msk $0xffff, v0  }
0x106: {  	s25 =	simm.s32 $0x0;
	[tilespmem:v8+s16+$0x0] =	vst.idx.add.f32.msk $0xffff, v0  }
.LBB2_14:
0x107: {  	s25 =	sadd.s32 $0x8, s25;
	[tilespmem:v1+s16+$0x0] =	vst.idx.add.f32.msk $0xffff, v0;
	s24 =	sadd.s32 $0x80, s24  }
0x108: {  	v2 =	vld [tilespmem:s24+$0xFFFFFFC0];
	p0 =	slt.u32 s25, $0x7F8  }
0x109: {  	v3 =	vld [tilespmem:s24+$0x30]  }
0x10a: {  	v4 =	vld [tilespmem:s24+$0x20]  }
0x10b: {  	v5 =	vld [tilespmem:s24+$0x10]  }
0x10c: {  	v6 =	vld [tilespmem:s24+$0x0]  }
0x10d: {  	v7 =	vld [tilespmem:s24+$0xFFFFFFF0]  }
0x10e: {  	v8 =	vld [tilespmem:s24+$0xFFFFFFE0]  }
0x10f: {  	v1 =	vld [tilespmem:s24+$0xFFFFFFD0]  }
0x110: {  	[tilespmem:v2+s16+$0x0] =	vst.idx.add.f32.msk $0xffff, v0  }
0x111: {  	[tilespmem:v3+s16+$0x0] =	vst.idx.add.f32.msk $0xffff, v0  }
.Ltmp6:
0x112: {  	[tilespmem:v4+s16+$0x0] =	vst.idx.add.f32.msk $0xffff, v0;
	(pc) =	sbr.rel @p0 .LBB2_14-.Ltmp6, $4  }
0x113: {  	[tilespmem:v5+s16+$0x0] =	vst.idx.add.f32.msk $0xffff, v0  }
0x114: {  	[tilespmem:v6+s16+$0x0] =	vst.idx.add.f32.msk $0xffff, v0  }
0x115: {  	[tilespmem:v7+s16+$0x0] =	vst.idx.add.f32.msk $0xffff, v0  }
0x116: {  	[tilespmem:v8+s16+$0x0] =	vst.idx.add.f32.msk $0xffff, v0  }
0x117: {  	_ =	sdelay $0x3  }
0x118: {  	[tilespmem:v1+s16+$0x0] =	vst.idx.add.f32.msk $0xffff, v0  }
0x119: {  	[tilespmem:s2], [sflag:$0x1] =	stream.linear.gather [hbm4b:s12+s2], $0x8000, $0x38;
	[tilespmem:$0x1A000] =	vst v63  }
0x11a: {  	_ =	swait.ge [sflag:s20], $0x8000  }
0x11b: {  	[sflag:s20] =	ssyncset.done $0x0  }
0x11c: {  	s24 =	simm.s32 $0x8040;
	[sflag:s20] =	ssyncadd.s32 $0xFFFF8000  }
0x11d: {  	v2 =	vld [tilespmem:s24+$0xFFFFFFC0]  }
0x11e: {  	v3 =	vld [tilespmem:s24+$0x30]  }
0x11f: {  	v4 =	vld [tilespmem:s24+$0x20]  }
0x120: {  	v5 =	vld [tilespmem:s24+$0x10]  }
0x121: {  	v6 =	vld [tilespmem:s24+$0x0]  }
0x122: {  	v7 =	vld [tilespmem:s24+$0xFFFFFFF0]  }
0x123: {  	v8 =	vld [tilespmem:s24+$0xFFFFFFE0]  }
0x124: {  	v1 =	vld [tilespmem:s24+$0xFFFFFFD0]  }
0x125: {  	[tilespmem:v2+s16+$0x0] =	vst.idx.add.f32.msk $0xffff, v0  }
0x126: {  	[tilespmem:v3+s16+$0x0] =	vst.idx.add.f32.msk $0xffff, v0  }
0x127: {  	[tilespmem:v4+s16+$0x0] =	vst.idx.add.f32.msk $0xffff, v0  }
0x128: {  	[tilespmem:v5+s16+$0x0] =	vst.idx.add.f32.msk $0xffff, v0  }
0x129: {  	[tilespmem:v6+s16+$0x0] =	vst.idx.add.f32.msk $0xffff, v0  }
0x12a: {  	[tilespmem:v7+s16+$0x0] =	vst.idx.add.f32.msk $0xffff, v0  }
0x12b: {  	s25 =	simm.s32 $0x0;
	[tilespmem:v8+s16+$0x0] =	vst.idx.add.f32.msk $0xffff, v0  }
.LBB2_16:
0x12c: {  	s25 =	sadd.s32 $0x8, s25;
	[tilespmem:v1+s16+$0x0] =	vst.idx.add.f32.msk $0xffff, v0;
	s24 =	sadd.s32 $0x80, s24  }
0x12d: {  	v2 =	vld [tilespmem:s24+$0xFFFFFFC0];
	p0 =	slt.u32 s25, $0x7F8  }
0x12e: {  	v3 =	vld [tilespmem:s24+$0x30]  }
0x12f: {  	v4 =	vld [tilespmem:s24+$0x20]  }
0x130: {  	v5 =	vld [tilespmem:s24+$0x10]  }
0x131: {  	v6 =	vld [tilespmem:s24+$0x0]  }
0x132: {  	v7 =	vld [tilespmem:s24+$0xFFFFFFF0]  }
0x133: {  	v8 =	vld [tilespmem:s24+$0xFFFFFFE0]  }
0x134: {  	v1 =	vld [tilespmem:s24+$0xFFFFFFD0]  }
0x135: {  	[tilespmem:v2+s16+$0x0] =	vst.idx.add.f32.msk $0xffff, v0  }
0x136: {  	[tilespmem:v3+s16+$0x0] =	vst.idx.add.f32.msk $0xffff, v0  }
.Ltmp7:
0x137: {  	[tilespmem:v4+s16+$0x0] =	vst.idx.add.f32.msk $0xffff, v0;
	(pc) =	sbr.rel @p0 .LBB2_16-.Ltmp7, $4  }
0x138: {  	[tilespmem:v5+s16+$0x0] =	vst.idx.add.f32.msk $0xffff, v0  }
0x139: {  	[tilespmem:v6+s16+$0x0] =	vst.idx.add.f32.msk $0xffff, v0  }
0x13a: {  	[tilespmem:v7+s16+$0x0] =	vst.idx.add.f32.msk $0xffff, v0  }
0x13b: {  	[tilespmem:v8+s16+$0x0] =	vst.idx.add.f32.msk $0xffff, v0  }
0x13c: {  	_ =	sdelay $0x3  }
0x13d: {  	[tilespmem:v1+s16+$0x0] =	vst.idx.add.f32.msk $0xffff, v0  }
0x13e: {  	[tilespmem:s18], [sflag:$0x2] =	stream.linear.gather [hbm4b:s13+s2], $0x8000, $0x38;
	[tilespmem:$0x1A000] =	vst v63  }
0x13f: {  	_ =	swait.ge [sflag:s19], $0x8000  }
0x140: {  	[sflag:s19] =	ssyncset.done $0x0  }
0x141: {  	s24 =	simm.s32 $0x40;
	[sflag:s19] =	ssyncadd.s32 $0xFFFF8000  }
0x142: {  	v2 =	vld [tilespmem:s24+$0xFFFFFFC0]  }
0x143: {  	v3 =	vld [tilespmem:s24+$0x30]  }
0x144: {  	v4 =	vld [tilespmem:s24+$0x20]  }
0x145: {  	v5 =	vld [tilespmem:s24+$0x10]  }
0x146: {  	v6 =	vld [tilespmem:s24+$0x0]  }
0x147: {  	v7 =	vld [tilespmem:s24+$0xFFFFFFF0]  }
0x148: {  	v8 =	vld [tilespmem:s24+$0xFFFFFFE0]  }
0x149: {  	v1 =	vld [tilespmem:s24+$0xFFFFFFD0]  }
0x14a: {  	[tilespmem:v2+s16+$0x0] =	vst.idx.add.f32.msk $0xffff, v0  }
0x14b: {  	[tilespmem:v3+s16+$0x0] =	vst.idx.add.f32.msk $0xffff, v0  }
0x14c: {  	[tilespmem:v4+s16+$0x0] =	vst.idx.add.f32.msk $0xffff, v0  }
0x14d: {  	[tilespmem:v5+s16+$0x0] =	vst.idx.add.f32.msk $0xffff, v0  }
0x14e: {  	[tilespmem:v6+s16+$0x0] =	vst.idx.add.f32.msk $0xffff, v0  }
0x14f: {  	[tilespmem:v7+s16+$0x0] =	vst.idx.add.f32.msk $0xffff, v0  }
0x150: {  	s25 =	simm.s32 $0x0;
	[tilespmem:v8+s16+$0x0] =	vst.idx.add.f32.msk $0xffff, v0  }
.LBB2_18:
0x151: {  	s25 =	sadd.s32 $0x8, s25;
	[tilespmem:v1+s16+$0x0] =	vst.idx.add.f32.msk $0xffff, v0;
	s24 =	sadd.s32 $0x80, s24  }
0x152: {  	v2 =	vld [tilespmem:s24+$0xFFFFFFC0];
	p0 =	slt.u32 s25, $0x7F8  }
0x153: {  	v3 =	vld [tilespmem:s24+$0x30]  }
0x154: {  	v4 =	vld [tilespmem:s24+$0x20]  }
0x155: {  	v5 =	vld [tilespmem:s24+$0x10]  }
0x156: {  	v6 =	vld [tilespmem:s24+$0x0]  }
0x157: {  	v7 =	vld [tilespmem:s24+$0xFFFFFFF0]  }
0x158: {  	v8 =	vld [tilespmem:s24+$0xFFFFFFE0]  }
0x159: {  	v1 =	vld [tilespmem:s24+$0xFFFFFFD0]  }
0x15a: {  	[tilespmem:v2+s16+$0x0] =	vst.idx.add.f32.msk $0xffff, v0  }
0x15b: {  	[tilespmem:v3+s16+$0x0] =	vst.idx.add.f32.msk $0xffff, v0  }
.Ltmp8:
0x15c: {  	[tilespmem:v4+s16+$0x0] =	vst.idx.add.f32.msk $0xffff, v0;
	(pc) =	sbr.rel @p0 .LBB2_18-.Ltmp8, $4  }
0x15d: {  	[tilespmem:v5+s16+$0x0] =	vst.idx.add.f32.msk $0xffff, v0  }
0x15e: {  	[tilespmem:v6+s16+$0x0] =	vst.idx.add.f32.msk $0xffff, v0  }
0x15f: {  	[tilespmem:v7+s16+$0x0] =	vst.idx.add.f32.msk $0xffff, v0  }
0x160: {  	[tilespmem:v8+s16+$0x0] =	vst.idx.add.f32.msk $0xffff, v0  }
0x161: {  	_ =	sdelay $0x3  }
0x162: {  	[tilespmem:v1+s16+$0x0] =	vst.idx.add.f32.msk $0xffff, v0  }
0x163: {  	_ =	swait.ge [sflag:s20], $0x8000  }
0x164: {  	[sflag:s20] =	ssyncset.done $0x0  }
0x165: {  	s24 =	simm.s32 $0x8040;
	[sflag:s20] =	ssyncadd.s32 $0xFFFF8000  }
0x166: {  	v2 =	vld [tilespmem:s24+$0xFFFFFFC0]  }
0x167: {  	v3 =	vld [tilespmem:s24+$0x30]  }
0x168: {  	v4 =	vld [tilespmem:s24+$0x20]  }
0x169: {  	v5 =	vld [tilespmem:s24+$0x10]  }
0x16a: {  	v6 =	vld [tilespmem:s24+$0x0]  }
0x16b: {  	v7 =	vld [tilespmem:s24+$0xFFFFFFF0]  }
0x16c: {  	v8 =	vld [tilespmem:s24+$0xFFFFFFE0]  }
0x16d: {  	v1 =	vld [tilespmem:s24+$0xFFFFFFD0]  }
0x16e: {  	[tilespmem:v2+s16+$0x0] =	vst.idx.add.f32.msk $0xffff, v0  }
0x16f: {  	[tilespmem:v3+s16+$0x0] =	vst.idx.add.f32.msk $0xffff, v0  }
0x170: {  	[tilespmem:v4+s16+$0x0] =	vst.idx.add.f32.msk $0xffff, v0  }
0x171: {  	[tilespmem:v5+s16+$0x0] =	vst.idx.add.f32.msk $0xffff, v0  }
0x172: {  	[tilespmem:v6+s16+$0x0] =	vst.idx.add.f32.msk $0xffff, v0  }
0x173: {  	[tilespmem:v7+s16+$0x0] =	vst.idx.add.f32.msk $0xffff, v0  }
0x174: {  	s25 =	simm.s32 $0x0;
	[tilespmem:v8+s16+$0x0] =	vst.idx.add.f32.msk $0xffff, v0  }
.LBB2_20:
0x175: {  	s25 =	sadd.s32 $0x8, s25;
	[tilespmem:v1+s16+$0x0] =	vst.idx.add.f32.msk $0xffff, v0;
	s24 =	sadd.s32 $0x80, s24  }
0x176: {  	v2 =	vld [tilespmem:s24+$0xFFFFFFC0];
	p0 =	slt.u32 s25, $0x7F8  }
0x177: {  	v3 =	vld [tilespmem:s24+$0x30]  }
0x178: {  	v4 =	vld [tilespmem:s24+$0x20]  }
0x179: {  	v5 =	vld [tilespmem:s24+$0x10]  }
0x17a: {  	v6 =	vld [tilespmem:s24+$0x0]  }
0x17b: {  	v7 =	vld [tilespmem:s24+$0xFFFFFFF0]  }
0x17c: {  	v8 =	vld [tilespmem:s24+$0xFFFFFFE0]  }
0x17d: {  	v1 =	vld [tilespmem:s24+$0xFFFFFFD0]  }
0x17e: {  	[tilespmem:v2+s16+$0x0] =	vst.idx.add.f32.msk $0xffff, v0  }
0x17f: {  	[tilespmem:v3+s16+$0x0] =	vst.idx.add.f32.msk $0xffff, v0  }
.Ltmp9:
0x180: {  	[tilespmem:v4+s16+$0x0] =	vst.idx.add.f32.msk $0xffff, v0;
	(pc) =	sbr.rel @p0 .LBB2_20-.Ltmp9, $4  }
0x181: {  	[tilespmem:v5+s16+$0x0] =	vst.idx.add.f32.msk $0xffff, v0  }
0x182: {  	[tilespmem:v6+s16+$0x0] =	vst.idx.add.f32.msk $0xffff, v0  }
0x183: {  	[tilespmem:v7+s16+$0x0] =	vst.idx.add.f32.msk $0xffff, v0  }
0x184: {  	[tilespmem:v8+s16+$0x0] =	vst.idx.add.f32.msk $0xffff, v0  }
0x185: {  	_ =	sdelay $0x1  }
0x186: {  	s23 =	sadd.s32 $0x1, s23  }
0x187: {  	p0 =	sne.s32 s23, s15  }
.Ltmp10:
0x188: {  	[tilespmem:v1+s16+$0x0] =	vst.idx.add.f32.msk $0xffff, v0;
	(pc) =	sbr.rel @p0 .LBB2_1-.Ltmp10, $4  }
0x189: {  	[hbm4b:s14+s21] =	stream.strided.scatter [tilespmem:s16], [sflag:$0x3], $0xA000, s22, s21, $0x38;
	[tilespmem:$0x1A000] =	vst v63  }
0x18a: {  	_ =	swait.ge [sflag:s17], $0xA000  }
0x18b: {  	[sflag:s17] =	ssyncset.done $0x0  }
0x18c: {  	[sflag:s17] =	ssyncadd.s32 $0xFFFF6000  }
0x18d: {  	_ =	sfence.sel $0x180000  }
0x18e: {  	[bflag:$0x0] =	sbarrier.arrive $0xFFFF  }
0x18f: {  	p0 =	sne.s32 s0, $0x0;
	_ =	strace $0x90000047  }
0x190: {  	s0 =	sadd.s32 @!p0 $0x100000, s1;
	[bflag:$0x2] =	sbarrier.arrive $0xFFFF  }
0x191: {  	[sflag:s0] =	ssyncadd.tile.s32 @!p0 $0x1;
	_ =	shalt  }
.Lfunc_end2:
_tile_overlayer_lowered:
.L_overlay_start_2:
0x192: {  	(tag) =	ssettag $0x2  }
0x193: {  	s0 =	rddreg [dreg:$0x0];
	s2 =	stileid.u32  }
0x194: {  	s1 =	rddreg [dreg:$0x1];
	p0 =	sne.s32 s2, $0x0  }
0x195: {  	s3 =	rddreg [dreg:$0x2];
	[bflag:$0x3] =	sbarrier.arrive $0xFFFF;
	s2 =	simm.s32 @!p0 $0x1C03  }
0x196: {  	[timem:s3], [sflag:s2] =	dma.local @!p0 [hbm:s0], s1  }
0x197: {  	s0 =	simm.s32 @!p0 $0x3  }
0x198: {  	_ =	swait.ge @!p0 [sflag:s0], s1  }
0x199: {  	s1 =	ssub.s32 @!p0 $0x0, s1;
	[sflag:s0] =	ssyncset.done @!p0 $0x0  }
0x19a: {  	[sflag:s0] =	ssyncadd.s32 @!p0 s1  }
0x19b: {  	[bflag:$0x3] =	sbarrier.arrive $0xFFFF  }
0x19c: {  	_ =	shalt  }

</sc_bundles>
